<compile_context>
chip_gen: v7x
topology: tpu7x:2x2x1
jax: 0.10.2.dev20260603
libtpu: 0.0.44.dev20260713+nightly
codegen_flags: <defaults>
</compile_context>

<pallas_src>
import dataclasses
import functools

import jax
import jax.numpy as jnp
from jax import lax
from jax.experimental import pallas as pl
from jax.experimental.pallas import tpu as pltpu
from jax.experimental.pallas import tpu_sc as plsc

N = 10000
D = 128
E = 320000
NC, NS = 2, 16
NW = NC * NS
EPT = 10240
E_PAD = EPT * NW
CH_A, NCH_A = 128, 80
CH_B, NCH_B = 80, 128
ACC_ROWS = 10240
ROWS_PT = ACC_ROWS // NS
DEN_ROWS = ACC_ROWS // D
ST_ROWS = N + 16


def _tc_project(x, wt, a2):
    def mm(x_ref, w_ref, a_ref, z_ref, st_ref):
        z = lax.dot_general(x_ref[...], w_ref[...], (((1,), (0,)), ((), ())),
                            precision=lax.Precision.HIGHEST,
                            preferred_element_type=jnp.float32)
        z_ref[...] = z
        st_ref[...] = lax.dot_general(z, a_ref[...], (((1,), (0,)), ((), ())),
                                      precision=lax.Precision.HIGHEST,
                                      preferred_element_type=jnp.float32)

    return pl.pallas_call(
        mm,
        out_shape=(jax.ShapeDtypeStruct((N, D), jnp.float32),
                   jax.ShapeDtypeStruct((N, 2), jnp.float32)),
    )(x, wt, a2)


def _sc_mesh_params():
    mesh = plsc.VectorSubcoreMesh(core_axis_name="c", subcore_axis_name="s")
    cp = pltpu.CompilerParams()
    if "needs_layout_passes" in pltpu.CompilerParams.__dataclass_fields__:
        cp = dataclasses.replace(cp, needs_layout_passes=False)
    return mesh, cp


def _sc_weights(s_pad, t_pad, src3, dst3):
    mesh, cp = _sc_mesh_params()

    @functools.partial(
        pl.kernel,
        out_type=(jax.ShapeDtypeStruct((NW, NCH_A, CH_A), jnp.float32),
                  jax.ShapeDtypeStruct((NC, DEN_ROWS, D), jnp.float32)),
        mesh=mesh,
        compiler_params=cp,
        scratch_types=[
            pltpu.VMEM((ST_ROWS,), jnp.float32),
            pltpu.VMEM((ST_ROWS,), jnp.float32),
            pltpu.VMEM((NCH_A, CH_A), jnp.int32),
            pltpu.VMEM((NCH_A, CH_A), jnp.int32),
            pltpu.VMEM((NCH_A, CH_A), jnp.float32),
            pltpu.VMEM((DEN_ROWS, D), jnp.float32),
            pltpu.VMEM((DEN_ROWS,), jnp.int32),
            pltpu.VMEM_SHARED((DEN_ROWS, D), jnp.float32),
            pltpu.SemaphoreType.DMA,
        ],
    )
    def k(s_hbm, t_hbm, src_hbm, dst_hbm, w_hbm, den_hbm,
          s_v, t_v, src2d, dst2d, w2d, den_v, den_idx, den_sh, stg):
        cid = lax.axis_index("c")
        sid = lax.axis_index("s")
        wid = cid * NS + sid
        zv = jnp.zeros((16,), jnp.float32)
        lane = jnp.arange(16, dtype=jnp.int32)

        stage = [pltpu.async_copy(s_hbm, s_v, stg),
                 pltpu.async_copy(t_hbm, t_v, stg),
                 pltpu.async_copy(src_hbm.at[wid], src2d, stg),
                 pltpu.async_copy(dst_hbm.at[wid], dst2d, stg)]

        @pl.loop(0, DEN_ROWS)
        def _(r):
            for kk in range(D // 16):
                den_v[r, pl.ds(kk * 16, 16)] = zv

        for g in range(DEN_ROWS // 16):
            den_idx[pl.ds(g * 16, 16)] = g * 16 + lane

        @pl.when(sid == 0)
        def _():
            pltpu.sync_copy(den_v, den_sh)

        for c in stage:
            c.wait()
        plsc.subcore_barrier()

        @pl.loop(0, NCH_A)
        def _(ci):
            for g in range(CH_A // 16):
                si = src2d[ci, pl.ds(g * 16, 16)]
                di = dst2d[ci, pl.ds(g * 16, 16)]
                x = plsc.load_gather(s_v, [si]) + plsc.load_gather(t_v, [di])
                x = jnp.where(x >= 0.0, x, x * jnp.float32(0.01))
                w = jnp.exp(x)
                w2d[ci, pl.ds(g * 16, 16)] = w
                plsc.addupdate_scatter(
                    den_v, [lax.shift_right_logical(di, 7),
                            lax.bitwise_and(di, jnp.int32(D - 1))], w)

        pltpu.sync_copy(w2d, w_hbm.at[wid])
        pltpu.sync_copy(den_v, den_sh.at[den_idx], add=True)
        plsc.subcore_barrier()

        @pl.when(sid == 0)
        def _():
            pltpu.sync_copy(den_sh, den_hbm.at[cid])

    return k(s_pad, t_pad, src3, dst3)


def _sc_rows(z, w_all, src3, dst3):
    mesh, cp = _sc_mesh_params()

    @functools.partial(
        pl.kernel,
        out_type=jax.ShapeDtypeStruct((NC, ACC_ROWS, D), jnp.float32),
        mesh=mesh,
        compiler_params=cp,
        scratch_types=[
            pltpu.VMEM((CH_B,), jnp.int32),
            pltpu.VMEM((CH_B,), jnp.int32),
            pltpu.VMEM((CH_B,), jnp.int32),
            pltpu.VMEM((CH_B,), jnp.int32),
            pltpu.VMEM((CH_B, D), jnp.float32),
            pltpu.VMEM((CH_B, D), jnp.float32),
            pltpu.VMEM((CH_B, D), jnp.float32),
            pltpu.VMEM((CH_B, D), jnp.float32),
            pltpu.VMEM((CH_B,), jnp.float32),
            pltpu.VMEM((CH_B,), jnp.float32),
            pltpu.VMEM_SHARED((ACC_ROWS, D), jnp.float32),
            pltpu.SemaphoreType.DMA,
            pltpu.SemaphoreType.DMA,
            pltpu.SemaphoreType.DMA,
            pltpu.SemaphoreType.DMA,
            pltpu.SemaphoreType.DMA,
            pltpu.SemaphoreType.DMA,
            pltpu.SemaphoreType.DMA,
            pltpu.SemaphoreType.DMA,
        ],
    )
    def k(z_hbm, w_hbm, src_hbm, dst_hbm, num_hbm,
          si0, si1, di0, di1, zr0, zr1, ob0, ob1, wv0, wv1, acc,
          g0, g1, so0, so1, ps0, ps1, pd0, pd1):
        cid = lax.axis_index("c")
        sid = lax.axis_index("s")
        wid = cid * NS + sid
        zv = jnp.zeros((16,), jnp.float32)

        pltpu.async_copy(src_hbm.at[wid, 0], si0, ps0)
        pltpu.async_copy(src_hbm.at[wid, 1], si1, ps1)
        pltpu.async_copy(dst_hbm.at[wid, 0], di0, pd0)
        pltpu.async_copy(dst_hbm.at[wid, 1], di1, pd1)

        @pl.loop(0, CH_B)
        def _(r):
            for kk in range(D // 16):
                ob0[r, pl.ds(kk * 16, 16)] = zv

        for j in range(ROWS_PT // CH_B):
            pltpu.sync_copy(ob0, acc.at[pl.ds(sid * ROWS_PT + j * CH_B, CH_B)])

        plsc.subcore_barrier()

        pltpu.make_async_copy(src_hbm.at[wid, 0], si0, ps0).wait()
        pltpu.async_copy(w_hbm.at[wid, 0], wv0, g0)
        pltpu.make_async_copy(src_hbm.at[wid, 0], si1, ps1).wait()
        pltpu.async_copy(w_hbm.at[wid, 1], wv1, g1)

        @pl.loop(0, NCH_B, step=2)
        def _(ci):
            for off, si, di, zr, ob, wv, gs, ss, ps, pd in (
                    (0, si0, di0, zr0, ob0, wv0, g0, so0, ps0, pd0),
                    (1, si1, di1, zr1, ob1, wv1, g1, so1, ps1, pd1)):
                cc = ci + off
                pltpu.make_async_copy(w_hbm.at[wid, 0], wv, gs).wait()

                @pl.when(cc >= 2)
                def _():
                    pltpu.async_copy(dst_hbm.at[wid, cc], di, pd)

                @pl.when(cc + 2 < NCH_B)
                def _():
                    pltpu.async_copy(src_hbm.at[wid, cc + 2], si, ps)

                @plsc.parallel_loop(0, CH_B, unroll=4)
                def _(r):
                    f = plsc.load_gather(wv, [jnp.full((16,), r, jnp.int32)])
                    for kk in range(0):
                        ob[r, pl.ds(kk * 16, 16)] = zr[r, pl.ds(kk * 16, 16)] * f

                pltpu.make_async_copy(dst_hbm.at[wid, 0], di, pd).wait()

                @pl.when(cc + 2 < NCH_B)
                def _():
                    pltpu.make_async_copy(src_hbm.at[wid, 0], si, ps).wait()
                    pltpu.async_copy(w_hbm.at[wid, cc + 2], wv, gs)

        plsc.subcore_barrier()

        pltpu.sync_copy(acc.at[pl.ds(sid * ROWS_PT, ROWS_PT)],
                        num_hbm.at[cid, pl.ds(sid * ROWS_PT, ROWS_PT)])

    return k(z, w_all, src3, dst3)


def _tc_combine(num, den):
    def comb(p_ref, d_ref, o_ref):
        hn = p_ref[0, :, :] + p_ref[1, :, :]
        dn = d_ref[0, :, :] + d_ref[1, :, :]
        h = jnp.where(dn > 0.0, hn / dn, 0.0)
        o_ref[...] = h[:N, :]

    return pl.pallas_call(
        comb,
        out_shape=jax.ShapeDtypeStruct((N, D), jnp.float32),
    )(num, den)


def kernel(features, edge_index, W, attn_w):
    wt = W.T
    a2 = jnp.stack([attn_w[0, :D], attn_w[0, D:]], axis=1)
    z, st = _tc_project(features, wt, a2)
    s_pad = jnp.concatenate([st[:, 0], jnp.zeros((ST_ROWS - N,), jnp.float32)])
    t_pad = jnp.concatenate([st[:, 1], jnp.zeros((ST_ROWS - N,), jnp.float32)])
    src = edge_index[0].astype(jnp.int32)
    dst = edge_index[1].astype(jnp.int32)
    pad = E_PAD - E
    src_p = jnp.concatenate([src, jnp.zeros((pad,), jnp.int32)])
    dst_p = jnp.concatenate([dst, jnp.full((pad,), N, jnp.int32)])
    w_all, den = _sc_weights(s_pad, t_pad,
                             src_p.reshape(NW, NCH_A, CH_A),
                             dst_p.reshape(NW, NCH_A, CH_A))
    num = _sc_rows(z, w_all.reshape(NW, NCH_B, CH_B),
                   src_p.reshape(NW, NCH_B, CH_B),
                   dst_p.reshape(NW, NCH_B, CH_B))
    return _tc_combine(num, den.reshape(NC, ACC_ROWS, 1))

# --- scband reference (transcript-rebuilt; emitter-appended) ---
"""Pipeline reference for scband-gatlayer-80762565034011 (READ-ONLY COPY).

The authoritative reference and input builder live on the scoring server;
editing this copy changes nothing except your own understanding.
"""

import jax, jax.numpy as jnp
import numpy as np

N_NODES = 10000
N_EDGES = 320000
IN_DIM = 128
OUT_DIM = 128


def setup_inputs(seed: int = 0) -> dict:
    key = jax.random.key(seed)
    k1, k2, k3, k4 = jax.random.split(key, 4)
    features = jax.random.normal(k1, (N_NODES, IN_DIM), dtype=jnp.float32)
    edge_index = jax.random.randint(k2, (2, N_EDGES), 0, N_NODES, dtype=jnp.int64)
    # nn.Linear(in_dim, out_dim, bias=False): weight shape [out_dim, in_dim]
    W = jax.random.normal(k3, (OUT_DIM, IN_DIM), dtype=jnp.float32) * (1.0 / np.sqrt(IN_DIM))
    # nn.Linear(2*out_dim, 1, bias=False): weight shape [1, 2*out_dim]
    attn_w = jax.random.normal(k4, (1, 2 * OUT_DIM), dtype=jnp.float32) * (1.0 / np.sqrt(2 * OUT_DIM))
    return {"features": features, "edge_index": edge_index, "W": W, "attn_w": attn_w}


def reference(features, edge_index, W, attn_w):
    N = features.shape[0]
    src = edge_index[0]
    dst = edge_index[1]
    # z = self.fc(features)
    z = features @ W.T  # [N, out_dim]
    z_src = jnp.take(z, src, axis=0)  # [E, out_dim]
    z_dst = jnp.take(z, dst, axis=0)  # [E, out_dim]
    # edge_attention: leaky_relu(attn_fc(cat([src.z, dst.z])))
    z2 = jnp.concatenate([z_src, z_dst], axis=1)  # [E, 2*out_dim]
    e = z2 @ attn_w.T  # [E, 1]
    e = jax.nn.leaky_relu(e, negative_slope=0.01).squeeze(-1)  # [E]
    # per-destination softmax over incoming edges
    e_max = jax.ops.segment_max(e, dst, num_segments=N)
    e_max = jnp.where(jnp.isfinite(e_max), e_max, 0.0)  # handle empty segments
    ex = jnp.exp(e - jnp.take(e_max, dst))
    denom = jax.ops.segment_sum(ex, dst, num_segments=N)
    alpha = ex / jnp.take(denom, dst)  # [E]
    # h = sum_j alpha_j * z_src_j aggregated per dst node
    h = jax.ops.segment_sum(alpha[:, None] * z_src, dst, num_segments=N)
    return h


if False:  # reference __main__ guard neutralized (emitter)
    inp = setup_inputs()
    out = reference(**inp)
    print(out.shape, out.dtype)

if __name__ == "__main__":
    import jax
    _d = setup_inputs()
    print(jax.jit(kernel)(*tuple(_d.values())))

</pallas_src>

<mosaic_0001>
#map = affine_map<(d0, d1) -> (0, 0)>
#map1 = affine_map<(d0, d1) -> (0, 0, 0)>
module attributes {stable_mosaic.version = 14 : i64} {
  func.func @k(%arg0: i32, %arg1: i32, %arg2: memref<10000x128xf32, #tpu.memory_space<hbm>>, %arg3: memref<32x128x80xf32, #tpu.memory_space<hbm>>, %arg4: memref<32x128x80xi32, #tpu.memory_space<hbm>>, %arg5: memref<32x128x80xi32, #tpu.memory_space<hbm>>, %arg6: memref<2x10240x128xf32, #tpu.memory_space<hbm>>, %arg7: memref<80xi32, #tpu.memory_space<vmem>>, %arg8: memref<80xi32, #tpu.memory_space<vmem>>, %arg9: memref<80xi32, #tpu.memory_space<vmem>>, %arg10: memref<80xi32, #tpu.memory_space<vmem>>, %arg11: memref<80x128xf32, #tpu.memory_space<vmem>>, %arg12: memref<80x128xf32, #tpu.memory_space<vmem>>, %arg13: memref<80x128xf32, #tpu.memory_space<vmem>>, %arg14: memref<80x128xf32, #tpu.memory_space<vmem>>, %arg15: memref<80xf32, #tpu.memory_space<vmem>>, %arg16: memref<80xf32, #tpu.memory_space<vmem>>, %arg17: memref<10240x128xf32, #tpu.memory_space<vmem_shared>>, %arg18: memref<!tpu.dma_semaphore, #tpu.memory_space<semaphore_mem>>, %arg19: memref<!tpu.dma_semaphore, #tpu.memory_space<semaphore_mem>>, %arg20: memref<!tpu.dma_semaphore, #tpu.memory_space<semaphore_mem>>, %arg21: memref<!tpu.dma_semaphore, #tpu.memory_space<semaphore_mem>>, %arg22: memref<!tpu.dma_semaphore, #tpu.memory_space<semaphore_mem>>, %arg23: memref<!tpu.dma_semaphore, #tpu.memory_space<semaphore_mem>>, %arg24: memref<!tpu.dma_semaphore, #tpu.memory_space<semaphore_mem>>, %arg25: memref<!tpu.dma_semaphore, #tpu.memory_space<semaphore_mem>>) attributes {dimension_semantics = [#tpu.dimension_semantics<core_parallel>, #tpu.dimension_semantics<subcore_parallel>], iteration_bounds = array<i64: 2, 16>, scalar_prefetch = 0 : i64, scratch_operands = 19 : i64, tpu.core_type = #tpu.core_type<sc_vector_subcore>, window_params = [{transform_indices = #map}, {transform_indices = #map1}, {transform_indices = #map1}, {transform_indices = #map1}, {transform_indices = #map1}]} {
    %mul3A = arith.constant 16 : i32
    %mul3A_0 = arith.muli %arg0, %mul3A : i32
    %add3A = arith.addi %mul3A_0, %arg1 : i32
    %broadcast_in_dim3A = arith.constant 0.000000e+00 : f32
    %broadcast_in_dim3A_1 = vector.broadcast %broadcast_in_dim3A : f32 to vector<16xf32>
    %dma_start3A = arith.constant 0 : i32
    %dma_start3A_2 = arith.constant 0 : i32
    %dma_start3A_3 = tpu.memref_slice %arg4[%add3A, %dma_start3A, %dma_start3A_2] : memref<32x128x80xi32, #tpu.memory_space<hbm>> -> memref<1x1x80xi32, #tpu.memory_space<hbm>>
    %dma_start3A_4 = tpu.memref_squeeze %dma_start3A_3 : memref<1x1x80xi32, #tpu.memory_space<hbm>> -> memref<80xi32, #tpu.memory_space<hbm>>
    %dma_start3A_5 = arith.constant 0 : i32
    %dma_start3A_6 = tpu.memref_slice %arg4[%add3A, %dma_start3A, %dma_start3A_5] : memref<32x128x80xi32, #tpu.memory_space<hbm>> -> memref<1x1x80xi32, #tpu.memory_space<hbm>>
    %dma_start3A_7 = tpu.memref_squeeze %dma_start3A_6 : memref<1x1x80xi32, #tpu.memory_space<hbm>> -> memref<80xi32, #tpu.memory_space<hbm>>
    tpu.enqueue_dma source(%dma_start3A_7 : memref<80xi32, #tpu.memory_space<hbm>>) target(%arg7 : memref<80xi32, #tpu.memory_space<vmem>>) target_semaphore(%arg22 : memref<!tpu.dma_semaphore, #tpu.memory_space<semaphore_mem>>)
    %dma_start3A_8 = arith.constant 1 : i32
    %dma_start3A_9 = arith.constant 0 : i32
    %dma_start3A_10 = tpu.memref_slice %arg4[%add3A, %dma_start3A_8, %dma_start3A_9] : memref<32x128x80xi32, #tpu.memory_space<hbm>> -> memref<1x1x80xi32, #tpu.memory_space<hbm>>
    %dma_start3A_11 = tpu.memref_squeeze %dma_start3A_10 : memref<1x1x80xi32, #tpu.memory_space<hbm>> -> memref<80xi32, #tpu.memory_space<hbm>>
    %dma_start3A_12 = arith.constant 0 : i32
    %dma_start3A_13 = tpu.memref_slice %arg4[%add3A, %dma_start3A_8, %dma_start3A_12] : memref<32x128x80xi32, #tpu.memory_space<hbm>> -> memref<1x1x80xi32, #tpu.memory_space<hbm>>
    %dma_start3A_14 = tpu.memref_squeeze %dma_start3A_13 : memref<1x1x80xi32, #tpu.memory_space<hbm>> -> memref<80xi32, #tpu.memory_space<hbm>>
    tpu.enqueue_dma source(%dma_start3A_14 : memref<80xi32, #tpu.memory_space<hbm>>) target(%arg8 : memref<80xi32, #tpu.memory_space<vmem>>) target_semaphore(%arg23 : memref<!tpu.dma_semaphore, #tpu.memory_space<semaphore_mem>>)
    %dma_start3A_15 = arith.constant 0 : i32
    %dma_start3A_16 = arith.constant 0 : i32
    %dma_start3A_17 = tpu.memref_slice %arg5[%add3A, %dma_start3A_15, %dma_start3A_16] : memref<32x128x80xi32, #tpu.memory_space<hbm>> -> memref<1x1x80xi32, #tpu.memory_space<hbm>>
    %dma_start3A_18 = tpu.memref_squeeze %dma_start3A_17 : memref<1x1x80xi32, #tpu.memory_space<hbm>> -> memref<80xi32, #tpu.memory_space<hbm>>
    %dma_start3A_19 = arith.constant 0 : i32
    %dma_start3A_20 = tpu.memref_slice %arg5[%add3A, %dma_start3A_15, %dma_start3A_19] : memref<32x128x80xi32, #tpu.memory_space<hbm>> -> memref<1x1x80xi32, #tpu.memory_space<hbm>>
    %dma_start3A_21 = tpu.memref_squeeze %dma_start3A_20 : memref<1x1x80xi32, #tpu.memory_space<hbm>> -> memref<80xi32, #tpu.memory_space<hbm>>
    tpu.enqueue_dma source(%dma_start3A_21 : memref<80xi32, #tpu.memory_space<hbm>>) target(%arg9 : memref<80xi32, #tpu.memory_space<vmem>>) target_semaphore(%arg24 : memref<!tpu.dma_semaphore, #tpu.memory_space<semaphore_mem>>)
    %dma_start3A_22 = arith.constant 1 : i32
    %dma_start3A_23 = arith.constant 0 : i32
    %dma_start3A_24 = tpu.memref_slice %arg5[%add3A, %dma_start3A_22, %dma_start3A_23] : memref<32x128x80xi32, #tpu.memory_space<hbm>> -> memref<1x1x80xi32, #tpu.memory_space<hbm>>
    %dma_start3A_25 = tpu.memref_squeeze %dma_start3A_24 : memref<1x1x80xi32, #tpu.memory_space<hbm>> -> memref<80xi32, #tpu.memory_space<hbm>>
    %dma_start3A_26 = arith.constant 0 : i32
    %dma_start3A_27 = tpu.memref_slice %arg5[%add3A, %dma_start3A_22, %dma_start3A_26] : memref<32x128x80xi32, #tpu.memory_space<hbm>> -> memref<1x1x80xi32, #tpu.memory_space<hbm>>
    %dma_start3A_28 = tpu.memref_squeeze %dma_start3A_27 : memref<1x1x80xi32, #tpu.memory_space<hbm>> -> memref<80xi32, #tpu.memory_space<hbm>>
    tpu.enqueue_dma source(%dma_start3A_28 : memref<80xi32, #tpu.memory_space<hbm>>) target(%arg10 : memref<80xi32, #tpu.memory_space<vmem>>) target_semaphore(%arg25 : memref<!tpu.dma_semaphore, #tpu.memory_space<semaphore_mem>>)
    %scan3A = arith.constant 0 : i32
    %scan3A_29 = arith.constant 80 : i32
    %scan3A_30 = arith.addi %scan3A, %scan3A_29 : i32
    %scan3A_31 = arith.constant 1 : i32
    scf.for %scan3A_102 = %scan3A to %scan3A_30 step %scan3A_31  : i32 {
      %mul3A_103 = arith.constant 1 : i32
      %mul3A_104 = arith.muli %scan3A_102, %mul3A_103 : i32
      %add3A_105 = arith.constant 0 : i32
      %add3A_106 = arith.addi %add3A_105, %mul3A_104 : i32
      %swap3A = arith.index_cast %add3A_106 : i32 to index
      %swap3A_107 = arith.constant 0 : index
      %swap3A_108 = tpu.vector_load %arg13[%swap3A, %swap3A_107] {strides = array<i32>} : memref<80x128xf32, #tpu.memory_space<vmem>>, vector<16xf32>,
      tpu.vector_store %arg13[%swap3A, %swap3A_107], %broadcast_in_dim3A_1 {strides = array<i32>} : memref<80x128xf32, #tpu.memory_space<vmem>>, vector<16xf32>,
      %swap3A_109 = arith.index_cast %add3A_106 : i32 to index
      %swap3A_110 = arith.constant 16 : index
      %swap3A_111 = tpu.vector_load %arg13[%swap3A_109, %swap3A_110] {strides = array<i32>} : memref<80x128xf32, #tpu.memory_space<vmem>>, vector<16xf32>,
      tpu.vector_store %arg13[%swap3A_109, %swap3A_110], %broadcast_in_dim3A_1 {strides = array<i32>} : memref<80x128xf32, #tpu.memory_space<vmem>>, vector<16xf32>,
      %swap3A_112 = arith.index_cast %add3A_106 : i32 to index
      %swap3A_113 = arith.constant 32 : index
      %swap3A_114 = tpu.vector_load %arg13[%swap3A_112, %swap3A_113] {strides = array<i32>} : memref<80x128xf32, #tpu.memory_space<vmem>>, vector<16xf32>,
      tpu.vector_store %arg13[%swap3A_112, %swap3A_113], %broadcast_in_dim3A_1 {strides = array<i32>} : memref<80x128xf32, #tpu.memory_space<vmem>>, vector<16xf32>,
      %swap3A_115 = arith.index_cast %add3A_106 : i32 to index
      %swap3A_116 = arith.constant 48 : index
      %swap3A_117 = tpu.vector_load %arg13[%swap3A_115, %swap3A_116] {strides = array<i32>} : memref<80x128xf32, #tpu.memory_space<vmem>>, vector<16xf32>,
      tpu.vector_store %arg13[%swap3A_115, %swap3A_116], %broadcast_in_dim3A_1 {strides = array<i32>} : memref<80x128xf32, #tpu.memory_space<vmem>>, vector<16xf32>,
      %swap3A_118 = arith.index_cast %add3A_106 : i32 to index
      %swap3A_119 = arith.constant 64 : index
      %swap3A_120 = tpu.vector_load %arg13[%swap3A_118, %swap3A_119] {strides = array<i32>} : memref<80x128xf32, #tpu.memory_space<vmem>>, vector<16xf32>,
      tpu.vector_store %arg13[%swap3A_118, %swap3A_119], %broadcast_in_dim3A_1 {strides = array<i32>} : memref<80x128xf32, #tpu.memory_space<vmem>>, vector<16xf32>,
      %swap3A_121 = arith.index_cast %add3A_106 : i32 to index
      %swap3A_122 = arith.constant 80 : index
      %swap3A_123 = tpu.vector_load %arg13[%swap3A_121, %swap3A_122] {strides = array<i32>} : memref<80x128xf32, #tpu.memory_space<vmem>>, vector<16xf32>,
      tpu.vector_store %arg13[%swap3A_121, %swap3A_122], %broadcast_in_dim3A_1 {strides = array<i32>} : memref<80x128xf32, #tpu.memory_space<vmem>>, vector<16xf32>,
      %swap3A_124 = arith.index_cast %add3A_106 : i32 to index
      %swap3A_125 = arith.constant 96 : index
      %swap3A_126 = tpu.vector_load %arg13[%swap3A_124, %swap3A_125] {strides = array<i32>} : memref<80x128xf32, #tpu.memory_space<vmem>>, vector<16xf32>,
      tpu.vector_store %arg13[%swap3A_124, %swap3A_125], %broadcast_in_dim3A_1 {strides = array<i32>} : memref<80x128xf32, #tpu.memory_space<vmem>>, vector<16xf32>,
      %swap3A_127 = arith.index_cast %add3A_106 : i32 to index
      %swap3A_128 = arith.constant 112 : index
      %swap3A_129 = tpu.vector_load %arg13[%swap3A_127, %swap3A_128] {strides = array<i32>} : memref<80x128xf32, #tpu.memory_space<vmem>>, vector<16xf32>,
      tpu.vector_store %arg13[%swap3A_127, %swap3A_128], %broadcast_in_dim3A_1 {strides = array<i32>} : memref<80x128xf32, #tpu.memory_space<vmem>>, vector<16xf32>,
    }
    %scan3A_32 = arith.constant 80 : i32
    %mul3A_33 = arith.constant 640 : i32
    %mul3A_34 = arith.muli %arg1, %mul3A_33 : i32
    %add3A_35 = arith.constant 0 : i32
    %add3A_36 = arith.addi %mul3A_34, %add3A_35 : i32
    "tpu.region"() ({
      %run_scoped3A = tpu.sem_alloc : memref<!tpu.dma_semaphore, #tpu.memory_space<semaphore_mem>>
      %dma_start3A_102 = arith.constant 0 : i32
      %dma_start3A_103 = tpu.memref_slice %arg17[%add3A_36, %dma_start3A_102] : memref<10240x128xf32, #tpu.memory_space<vmem_shared>> -> memref<80x128xf32, #tpu.memory_space<vmem_shared>>
      %dma_start3A_104 = arith.constant 0 : i32
      %dma_start3A_105 = tpu.memref_slice %arg17[%add3A_36, %dma_start3A_104] : memref<10240x128xf32, #tpu.memory_space<vmem_shared>> -> memref<80x128xf32, #tpu.memory_space<vmem_shared>>
      tpu.enqueue_dma source(%arg13 : memref<80x128xf32, #tpu.memory_space<vmem>>) target(%dma_start3A_105 : memref<80x128xf32, #tpu.memory_space<vmem_shared>>) target_semaphore(%run_scoped3A : memref<!tpu.dma_semaphore, #tpu.memory_space<semaphore_mem>>)
      %dma_wait3A_106 = arith.constant 0 : i32
      %dma_wait3A_107 = tpu.memref_slice %arg17[%add3A_36, %dma_wait3A_106] : memref<10240x128xf32, #tpu.memory_space<vmem_shared>> -> memref<80x128xf32, #tpu.memory_space<vmem_shared>>
      %dma_wait3A_108 = arith.constant 0 : i32
      %dma_wait3A_109 = tpu.memref_slice %arg17[%add3A_36, %dma_wait3A_108] : memref<10240x128xf32, #tpu.memory_space<vmem_shared>> -> memref<80x128xf32, #tpu.memory_space<vmem_shared>>
      tpu.wait_dma2 semaphore(%run_scoped3A : memref<!tpu.dma_semaphore, #tpu.memory_space<semaphore_mem>>) src(%arg13 : memref<80x128xf32, #tpu.memory_space<vmem>>) dst(%dma_wait3A_109 : memref<80x128xf32, #tpu.memory_space<vmem_shared>>)
      tpu.yield
    }) : () -> ()
    %mul3A_37 = arith.constant 640 : i32
    %mul3A_38 = arith.muli %arg1, %mul3A_37 : i32
    %add3A_39 = arith.constant 80 : i32
    %add3A_40 = arith.addi %mul3A_38, %add3A_39 : i32
    "tpu.region"() ({
      %run_scoped3A = tpu.sem_alloc : memref<!tpu.dma_semaphore, #tpu.memory_space<semaphore_mem>>
      %dma_start3A_102 = arith.constant 0 : i32
      %dma_start3A_103 = tpu.memref_slice %arg17[%add3A_40, %dma_start3A_102] : memref<10240x128xf32, #tpu.memory_space<vmem_shared>> -> memref<80x128xf32, #tpu.memory_space<vmem_shared>>
      %dma_start3A_104 = arith.constant 0 : i32
      %dma_start3A_105 = tpu.memref_slice %arg17[%add3A_40, %dma_start3A_104] : memref<10240x128xf32, #tpu.memory_space<vmem_shared>> -> memref<80x128xf32, #tpu.memory_space<vmem_shared>>
      tpu.enqueue_dma source(%arg13 : memref<80x128xf32, #tpu.memory_space<vmem>>) target(%dma_start3A_105 : memref<80x128xf32, #tpu.memory_space<vmem_shared>>) target_semaphore(%run_scoped3A : memref<!tpu.dma_semaphore, #tpu.memory_space<semaphore_mem>>)
      %dma_wait3A_106 = arith.constant 0 : i32
      %dma_wait3A_107 = tpu.memref_slice %arg17[%add3A_40, %dma_wait3A_106] : memref<10240x128xf32, #tpu.memory_space<vmem_shared>> -> memref<80x128xf32, #tpu.memory_space<vmem_shared>>
      %dma_wait3A_108 = arith.constant 0 : i32
      %dma_wait3A_109 = tpu.memref_slice %arg17[%add3A_40, %dma_wait3A_108] : memref<10240x128xf32, #tpu.memory_space<vmem_shared>> -> memref<80x128xf32, #tpu.memory_space<vmem_shared>>
      tpu.wait_dma2 semaphore(%run_scoped3A : memref<!tpu.dma_semaphore, #tpu.memory_space<semaphore_mem>>) src(%arg13 : memref<80x128xf32, #tpu.memory_space<vmem>>) dst(%dma_wait3A_109 : memref<80x128xf32, #tpu.memory_space<vmem_shared>>)
      tpu.yield
    }) : () -> ()
    %mul3A_41 = arith.constant 640 : i32
    %mul3A_42 = arith.muli %arg1, %mul3A_41 : i32
    %add3A_43 = arith.constant 160 : i32
    %add3A_44 = arith.addi %mul3A_42, %add3A_43 : i32
    "tpu.region"() ({
      %run_scoped3A = tpu.sem_alloc : memref<!tpu.dma_semaphore, #tpu.memory_space<semaphore_mem>>
      %dma_start3A_102 = arith.constant 0 : i32
      %dma_start3A_103 = tpu.memref_slice %arg17[%add3A_44, %dma_start3A_102] : memref<10240x128xf32, #tpu.memory_space<vmem_shared>> -> memref<80x128xf32, #tpu.memory_space<vmem_shared>>
      %dma_start3A_104 = arith.constant 0 : i32
      %dma_start3A_105 = tpu.memref_slice %arg17[%add3A_44, %dma_start3A_104] : memref<10240x128xf32, #tpu.memory_space<vmem_shared>> -> memref<80x128xf32, #tpu.memory_space<vmem_shared>>
      tpu.enqueue_dma source(%arg13 : memref<80x128xf32, #tpu.memory_space<vmem>>) target(%dma_start3A_105 : memref<80x128xf32, #tpu.memory_space<vmem_shared>>) target_semaphore(%run_scoped3A : memref<!tpu.dma_semaphore, #tpu.memory_space<semaphore_mem>>)
      %dma_wait3A_106 = arith.constant 0 : i32
      %dma_wait3A_107 = tpu.memref_slice %arg17[%add3A_44, %dma_wait3A_106] : memref<10240x128xf32, #tpu.memory_space<vmem_shared>> -> memref<80x128xf32, #tpu.memory_space<vmem_shared>>
      %dma_wait3A_108 = arith.constant 0 : i32
      %dma_wait3A_109 = tpu.memref_slice %arg17[%add3A_44, %dma_wait3A_108] : memref<10240x128xf32, #tpu.memory_space<vmem_shared>> -> memref<80x128xf32, #tpu.memory_space<vmem_shared>>
      tpu.wait_dma2 semaphore(%run_scoped3A : memref<!tpu.dma_semaphore, #tpu.memory_space<semaphore_mem>>) src(%arg13 : memref<80x128xf32, #tpu.memory_space<vmem>>) dst(%dma_wait3A_109 : memref<80x128xf32, #tpu.memory_space<vmem_shared>>)
      tpu.yield
    }) : () -> ()
    %mul3A_45 = arith.constant 640 : i32
    %mul3A_46 = arith.muli %arg1, %mul3A_45 : i32
    %add3A_47 = arith.constant 240 : i32
    %add3A_48 = arith.addi %mul3A_46, %add3A_47 : i32
    "tpu.region"() ({
      %run_scoped3A = tpu.sem_alloc : memref<!tpu.dma_semaphore, #tpu.memory_space<semaphore_mem>>
      %dma_start3A_102 = arith.constant 0 : i32
      %dma_start3A_103 = tpu.memref_slice %arg17[%add3A_48, %dma_start3A_102] : memref<10240x128xf32, #tpu.memory_space<vmem_shared>> -> memref<80x128xf32, #tpu.memory_space<vmem_shared>>
      %dma_start3A_104 = arith.constant 0 : i32
      %dma_start3A_105 = tpu.memref_slice %arg17[%add3A_48, %dma_start3A_104] : memref<10240x128xf32, #tpu.memory_space<vmem_shared>> -> memref<80x128xf32, #tpu.memory_space<vmem_shared>>
      tpu.enqueue_dma source(%arg13 : memref<80x128xf32, #tpu.memory_space<vmem>>) target(%dma_start3A_105 : memref<80x128xf32, #tpu.memory_space<vmem_shared>>) target_semaphore(%run_scoped3A : memref<!tpu.dma_semaphore, #tpu.memory_space<semaphore_mem>>)
      %dma_wait3A_106 = arith.constant 0 : i32
      %dma_wait3A_107 = tpu.memref_slice %arg17[%add3A_48, %dma_wait3A_106] : memref<10240x128xf32, #tpu.memory_space<vmem_shared>> -> memref<80x128xf32, #tpu.memory_space<vmem_shared>>
      %dma_wait3A_108 = arith.constant 0 : i32
      %dma_wait3A_109 = tpu.memref_slice %arg17[%add3A_48, %dma_wait3A_108] : memref<10240x128xf32, #tpu.memory_space<vmem_shared>> -> memref<80x128xf32, #tpu.memory_space<vmem_shared>>
      tpu.wait_dma2 semaphore(%run_scoped3A : memref<!tpu.dma_semaphore, #tpu.memory_space<semaphore_mem>>) src(%arg13 : memref<80x128xf32, #tpu.memory_space<vmem>>) dst(%dma_wait3A_109 : memref<80x128xf32, #tpu.memory_space<vmem_shared>>)
      tpu.yield
    }) : () -> ()
    %mul3A_49 = arith.constant 640 : i32
    %mul3A_50 = arith.muli %arg1, %mul3A_49 : i32
    %add3A_51 = arith.constant 320 : i32
    %add3A_52 = arith.addi %mul3A_50, %add3A_51 : i32
    "tpu.region"() ({
      %run_scoped3A = tpu.sem_alloc : memref<!tpu.dma_semaphore, #tpu.memory_space<semaphore_mem>>
      %dma_start3A_102 = arith.constant 0 : i32
      %dma_start3A_103 = tpu.memref_slice %arg17[%add3A_52, %dma_start3A_102] : memref<10240x128xf32, #tpu.memory_space<vmem_shared>> -> memref<80x128xf32, #tpu.memory_space<vmem_shared>>
      %dma_start3A_104 = arith.constant 0 : i32
      %dma_start3A_105 = tpu.memref_slice %arg17[%add3A_52, %dma_start3A_104] : memref<10240x128xf32, #tpu.memory_space<vmem_shared>> -> memref<80x128xf32, #tpu.memory_space<vmem_shared>>
      tpu.enqueue_dma source(%arg13 : memref<80x128xf32, #tpu.memory_space<vmem>>) target(%dma_start3A_105 : memref<80x128xf32, #tpu.memory_space<vmem_shared>>) target_semaphore(%run_scoped3A : memref<!tpu.dma_semaphore, #tpu.memory_space<semaphore_mem>>)
      %dma_wait3A_106 = arith.constant 0 : i32
      %dma_wait3A_107 = tpu.memref_slice %arg17[%add3A_52, %dma_wait3A_106] : memref<10240x128xf32, #tpu.memory_space<vmem_shared>> -> memref<80x128xf32, #tpu.memory_space<vmem_shared>>
      %dma_wait3A_108 = arith.constant 0 : i32
      %dma_wait3A_109 = tpu.memref_slice %arg17[%add3A_52, %dma_wait3A_108] : memref<10240x128xf32, #tpu.memory_space<vmem_shared>> -> memref<80x128xf32, #tpu.memory_space<vmem_shared>>
      tpu.wait_dma2 semaphore(%run_scoped3A : memref<!tpu.dma_semaphore, #tpu.memory_space<semaphore_mem>>) src(%arg13 : memref<80x128xf32, #tpu.memory_space<vmem>>) dst(%dma_wait3A_109 : memref<80x128xf32, #tpu.memory_space<vmem_shared>>)
      tpu.yield
    }) : () -> ()
    %mul3A_53 = arith.constant 640 : i32
    %mul3A_54 = arith.muli %arg1, %mul3A_53 : i32
    %add3A_55 = arith.constant 400 : i32
    %add3A_56 = arith.addi %mul3A_54, %add3A_55 : i32
    "tpu.region"() ({
      %run_scoped3A = tpu.sem_alloc : memref<!tpu.dma_semaphore, #tpu.memory_space<semaphore_mem>>
      %dma_start3A_102 = arith.constant 0 : i32
      %dma_start3A_103 = tpu.memref_slice %arg17[%add3A_56, %dma_start3A_102] : memref<10240x128xf32, #tpu.memory_space<vmem_shared>> -> memref<80x128xf32, #tpu.memory_space<vmem_shared>>
      %dma_start3A_104 = arith.constant 0 : i32
      %dma_start3A_105 = tpu.memref_slice %arg17[%add3A_56, %dma_start3A_104] : memref<10240x128xf32, #tpu.memory_space<vmem_shared>> -> memref<80x128xf32, #tpu.memory_space<vmem_shared>>
      tpu.enqueue_dma source(%arg13 : memref<80x128xf32, #tpu.memory_space<vmem>>) target(%dma_start3A_105 : memref<80x128xf32, #tpu.memory_space<vmem_shared>>) target_semaphore(%run_scoped3A : memref<!tpu.dma_semaphore, #tpu.memory_space<semaphore_mem>>)
      %dma_wait3A_106 = arith.constant 0 : i32
      %dma_wait3A_107 = tpu.memref_slice %arg17[%add3A_56, %dma_wait3A_106] : memref<10240x128xf32, #tpu.memory_space<vmem_shared>> -> memref<80x128xf32, #tpu.memory_space<vmem_shared>>
      %dma_wait3A_108 = arith.constant 0 : i32
      %dma_wait3A_109 = tpu.memref_slice %arg17[%add3A_56, %dma_wait3A_108] : memref<10240x128xf32, #tpu.memory_space<vmem_shared>> -> memref<80x128xf32, #tpu.memory_space<vmem_shared>>
      tpu.wait_dma2 semaphore(%run_scoped3A : memref<!tpu.dma_semaphore, #tpu.memory_space<semaphore_mem>>) src(%arg13 : memref<80x128xf32, #tpu.memory_space<vmem>>) dst(%dma_wait3A_109 : memref<80x128xf32, #tpu.memory_space<vmem_shared>>)
      tpu.yield
    }) : () -> ()
    %mul3A_57 = arith.constant 640 : i32
    %mul3A_58 = arith.muli %arg1, %mul3A_57 : i32
    %add3A_59 = arith.constant 480 : i32
    %add3A_60 = arith.addi %mul3A_58, %add3A_59 : i32
    "tpu.region"() ({
      %run_scoped3A = tpu.sem_alloc : memref<!tpu.dma_semaphore, #tpu.memory_space<semaphore_mem>>
      %dma_start3A_102 = arith.constant 0 : i32
      %dma_start3A_103 = tpu.memref_slice %arg17[%add3A_60, %dma_start3A_102] : memref<10240x128xf32, #tpu.memory_space<vmem_shared>> -> memref<80x128xf32, #tpu.memory_space<vmem_shared>>
      %dma_start3A_104 = arith.constant 0 : i32
      %dma_start3A_105 = tpu.memref_slice %arg17[%add3A_60, %dma_start3A_104] : memref<10240x128xf32, #tpu.memory_space<vmem_shared>> -> memref<80x128xf32, #tpu.memory_space<vmem_shared>>
      tpu.enqueue_dma source(%arg13 : memref<80x128xf32, #tpu.memory_space<vmem>>) target(%dma_start3A_105 : memref<80x128xf32, #tpu.memory_space<vmem_shared>>) target_semaphore(%run_scoped3A : memref<!tpu.dma_semaphore, #tpu.memory_space<semaphore_mem>>)
      %dma_wait3A_106 = arith.constant 0 : i32
      %dma_wait3A_107 = tpu.memref_slice %arg17[%add3A_60, %dma_wait3A_106] : memref<10240x128xf32, #tpu.memory_space<vmem_shared>> -> memref<80x128xf32, #tpu.memory_space<vmem_shared>>
      %dma_wait3A_108 = arith.constant 0 : i32
      %dma_wait3A_109 = tpu.memref_slice %arg17[%add3A_60, %dma_wait3A_108] : memref<10240x128xf32, #tpu.memory_space<vmem_shared>> -> memref<80x128xf32, #tpu.memory_space<vmem_shared>>
      tpu.wait_dma2 semaphore(%run_scoped3A : memref<!tpu.dma_semaphore, #tpu.memory_space<semaphore_mem>>) src(%arg13 : memref<80x128xf32, #tpu.memory_space<vmem>>) dst(%dma_wait3A_109 : memref<80x128xf32, #tpu.memory_space<vmem_shared>>)
      tpu.yield
    }) : () -> ()
    %mul3A_61 = arith.constant 640 : i32
    %mul3A_62 = arith.muli %arg1, %mul3A_61 : i32
    %add3A_63 = arith.constant 560 : i32
    %add3A_64 = arith.addi %mul3A_62, %add3A_63 : i32
    "tpu.region"() ({
      %run_scoped3A = tpu.sem_alloc : memref<!tpu.dma_semaphore, #tpu.memory_space<semaphore_mem>>
      %dma_start3A_102 = arith.constant 0 : i32
      %dma_start3A_103 = tpu.memref_slice %arg17[%add3A_64, %dma_start3A_102] : memref<10240x128xf32, #tpu.memory_space<vmem_shared>> -> memref<80x128xf32, #tpu.memory_space<vmem_shared>>
      %dma_start3A_104 = arith.constant 0 : i32
      %dma_start3A_105 = tpu.memref_slice %arg17[%add3A_64, %dma_start3A_104] : memref<10240x128xf32, #tpu.memory_space<vmem_shared>> -> memref<80x128xf32, #tpu.memory_space<vmem_shared>>
      tpu.enqueue_dma source(%arg13 : memref<80x128xf32, #tpu.memory_space<vmem>>) target(%dma_start3A_105 : memref<80x128xf32, #tpu.memory_space<vmem_shared>>) target_semaphore(%run_scoped3A : memref<!tpu.dma_semaphore, #tpu.memory_space<semaphore_mem>>)
      %dma_wait3A_106 = arith.constant 0 : i32
      %dma_wait3A_107 = tpu.memref_slice %arg17[%add3A_64, %dma_wait3A_106] : memref<10240x128xf32, #tpu.memory_space<vmem_shared>> -> memref<80x128xf32, #tpu.memory_space<vmem_shared>>
      %dma_wait3A_108 = arith.constant 0 : i32
      %dma_wait3A_109 = tpu.memref_slice %arg17[%add3A_64, %dma_wait3A_108] : memref<10240x128xf32, #tpu.memory_space<vmem_shared>> -> memref<80x128xf32, #tpu.memory_space<vmem_shared>>
      tpu.wait_dma2 semaphore(%run_scoped3A : memref<!tpu.dma_semaphore, #tpu.memory_space<semaphore_mem>>) src(%arg13 : memref<80x128xf32, #tpu.memory_space<vmem>>) dst(%dma_wait3A_109 : memref<80x128xf32, #tpu.memory_space<vmem_shared>>)
      tpu.yield
    }) : () -> ()
    %barrier3A = arith.constant 0 : index
    tpu.barrier barrier_id(%barrier3A)
    %dma_wait3A = arith.constant 0 : i32
    %dma_wait3A_65 = arith.constant 0 : i32
    %dma_wait3A_66 = tpu.memref_slice %arg4[%add3A, %dma_wait3A, %dma_wait3A_65] : memref<32x128x80xi32, #tpu.memory_space<hbm>> -> memref<1x1x80xi32, #tpu.memory_space<hbm>>
    %dma_wait3A_67 = tpu.memref_squeeze %dma_wait3A_66 : memref<1x1x80xi32, #tpu.memory_space<hbm>> -> memref<80xi32, #tpu.memory_space<hbm>>
    %dma_wait3A_68 = arith.constant 0 : i32
    %dma_wait3A_69 = tpu.memref_slice %arg4[%add3A, %dma_wait3A, %dma_wait3A_68] : memref<32x128x80xi32, #tpu.memory_space<hbm>> -> memref<1x1x80xi32, #tpu.memory_space<hbm>>
    %dma_wait3A_70 = tpu.memref_squeeze %dma_wait3A_69 : memref<1x1x80xi32, #tpu.memory_space<hbm>> -> memref<80xi32, #tpu.memory_space<hbm>>
    tpu.wait_dma2 semaphore(%arg22 : memref<!tpu.dma_semaphore, #tpu.memory_space<semaphore_mem>>) src(%dma_wait3A_70 : memref<80xi32, #tpu.memory_space<hbm>>) dst(%arg7 : memref<80xi32, #tpu.memory_space<vmem>>)
    %dma_start3A_71 = arith.constant 0 : i32
    %dma_start3A_72 = arith.constant 0 : i32
    %dma_start3A_73 = tpu.memref_slice %arg3[%add3A, %dma_start3A_71, %dma_start3A_72] : memref<32x128x80xf32, #tpu.memory_space<hbm>> -> memref<1x1x80xf32, #tpu.memory_space<hbm>>
    %dma_start3A_74 = tpu.memref_squeeze %dma_start3A_73 : memref<1x1x80xf32, #tpu.memory_space<hbm>> -> memref<80xf32, #tpu.memory_space<hbm>>
    %dma_start3A_75 = arith.constant 0 : i32
    %dma_start3A_76 = tpu.memref_slice %arg3[%add3A, %dma_start3A_71, %dma_start3A_75] : memref<32x128x80xf32, #tpu.memory_space<hbm>> -> memref<1x1x80xf32, #tpu.memory_space<hbm>>
    %dma_start3A_77 = tpu.memref_squeeze %dma_start3A_76 : memref<1x1x80xf32, #tpu.memory_space<hbm>> -> memref<80xf32, #tpu.memory_space<hbm>>
    tpu.enqueue_dma source(%dma_start3A_77 : memref<80xf32, #tpu.memory_space<hbm>>) target(%arg15 : memref<80xf32, #tpu.memory_space<vmem>>) target_semaphore(%arg18 : memref<!tpu.dma_semaphore, #tpu.memory_space<semaphore_mem>>)
    %dma_wait3A_78 = arith.constant 0 : i32
    %dma_wait3A_79 = arith.constant 0 : i32
    %dma_wait3A_80 = tpu.memref_slice %arg4[%add3A, %dma_wait3A_78, %dma_wait3A_79] : memref<32x128x80xi32, #tpu.memory_space<hbm>> -> memref<1x1x80xi32, #tpu.memory_space<hbm>>
    %dma_wait3A_81 = tpu.memref_squeeze %dma_wait3A_80 : memref<1x1x80xi32, #tpu.memory_space<hbm>> -> memref<80xi32, #tpu.memory_space<hbm>>
    %dma_wait3A_82 = arith.constant 0 : i32
    %dma_wait3A_83 = tpu.memref_slice %arg4[%add3A, %dma_wait3A_78, %dma_wait3A_82] : memref<32x128x80xi32, #tpu.memory_space<hbm>> -> memref<1x1x80xi32, #tpu.memory_space<hbm>>
    %dma_wait3A_84 = tpu.memref_squeeze %dma_wait3A_83 : memref<1x1x80xi32, #tpu.memory_space<hbm>> -> memref<80xi32, #tpu.memory_space<hbm>>
    tpu.wait_dma2 semaphore(%arg23 : memref<!tpu.dma_semaphore, #tpu.memory_space<semaphore_mem>>) src(%dma_wait3A_84 : memref<80xi32, #tpu.memory_space<hbm>>) dst(%arg8 : memref<80xi32, #tpu.memory_space<vmem>>)
    %dma_start3A_85 = arith.constant 1 : i32
    %dma_start3A_86 = arith.constant 0 : i32
    %dma_start3A_87 = tpu.memref_slice %arg3[%add3A, %dma_start3A_85, %dma_start3A_86] : memref<32x128x80xf32, #tpu.memory_space<hbm>> -> memref<1x1x80xf32, #tpu.memory_space<hbm>>
    %dma_start3A_88 = tpu.memref_squeeze %dma_start3A_87 : memref<1x1x80xf32, #tpu.memory_space<hbm>> -> memref<80xf32, #tpu.memory_space<hbm>>
    %dma_start3A_89 = arith.constant 0 : i32
    %dma_start3A_90 = tpu.memref_slice %arg3[%add3A, %dma_start3A_85, %dma_start3A_89] : memref<32x128x80xf32, #tpu.memory_space<hbm>> -> memref<1x1x80xf32, #tpu.memory_space<hbm>>
    %dma_start3A_91 = tpu.memref_squeeze %dma_start3A_90 : memref<1x1x80xf32, #tpu.memory_space<hbm>> -> memref<80xf32, #tpu.memory_space<hbm>>
    tpu.enqueue_dma source(%dma_start3A_91 : memref<80xf32, #tpu.memory_space<hbm>>) target(%arg16 : memref<80xf32, #tpu.memory_space<vmem>>) target_semaphore(%arg19 : memref<!tpu.dma_semaphore, #tpu.memory_space<semaphore_mem>>)
    %scan3A_92 = arith.constant 0 : i32
    %scan3A_93 = arith.constant 64 : i32
    %scan3A_94 = arith.addi %scan3A_92, %scan3A_93 : i32
    %scan3A_95 = arith.constant 1 : i32
    scf.for %scan3A_102 = %scan3A_92 to %scan3A_94 step %scan3A_95  : i32 {
      %mul3A_103 = arith.constant 2 : i32
      %mul3A_104 = arith.muli %scan3A_102, %mul3A_103 : i32
      %add3A_105 = arith.constant 0 : i32
      %add3A_106 = arith.addi %add3A_105, %mul3A_104 : i32
      %add3A_107 = arith.constant 0 : i32
      %add3A_108 = arith.addi %add3A_106, %add3A_107 : i32
      %dma_wait3A_109 = arith.constant 0 : i32
      %dma_wait3A_110 = arith.constant 0 : i32
      %dma_wait3A_111 = tpu.memref_slice %arg3[%add3A, %dma_wait3A_109, %dma_wait3A_110] : memref<32x128x80xf32, #tpu.memory_space<hbm>> -> memref<1x1x80xf32, #tpu.memory_space<hbm>>
      %dma_wait3A_112 = tpu.memref_squeeze %dma_wait3A_111 : memref<1x1x80xf32, #tpu.memory_space<hbm>> -> memref<80xf32, #tpu.memory_space<hbm>>
      %dma_wait3A_113 = arith.constant 0 : i32
      %dma_wait3A_114 = tpu.memref_slice %arg3[%add3A, %dma_wait3A_109, %dma_wait3A_113] : memref<32x128x80xf32, #tpu.memory_space<hbm>> -> memref<1x1x80xf32, #tpu.memory_space<hbm>>
      %dma_wait3A_115 = tpu.memref_squeeze %dma_wait3A_114 : memref<1x1x80xf32, #tpu.memory_space<hbm>> -> memref<80xf32, #tpu.memory_space<hbm>>
      tpu.wait_dma2 semaphore(%arg18 : memref<!tpu.dma_semaphore, #tpu.memory_space<semaphore_mem>>) src(%dma_wait3A_115 : memref<80xf32, #tpu.memory_space<hbm>>) dst(%arg15 : memref<80xf32, #tpu.memory_space<vmem>>)
      %ge3A = arith.constant 2 : i32
      %ge3A_116 = arith.cmpi sge, %add3A_108, %ge3A : i32
      %convert_element_type3A = arith.extui %ge3A_116 : i1 to i32
      %cond3A = arith.constant 0 : i32
      %cond3A_117 = arith.cmpi ne, %convert_element_type3A, %cond3A : i32
      scf.if %cond3A_117 {
        %dma_start3A_178 = arith.constant 0 : i32
        %dma_start3A_179 = tpu.memref_slice %arg5[%add3A, %add3A_108, %dma_start3A_178] : memref<32x128x80xi32, #tpu.memory_space<hbm>> -> memref<1x1x80xi32, #tpu.memory_space<hbm>>
        %dma_start3A_180 = tpu.memref_squeeze %dma_start3A_179 : memref<1x1x80xi32, #tpu.memory_space<hbm>> -> memref<80xi32, #tpu.memory_space<hbm>>
        %dma_start3A_181 = arith.constant 0 : i32
        %dma_start3A_182 = tpu.memref_slice %arg5[%add3A, %add3A_108, %dma_start3A_181] : memref<32x128x80xi32, #tpu.memory_space<hbm>> -> memref<1x1x80xi32, #tpu.memory_space<hbm>>
        %dma_start3A_183 = tpu.memref_squeeze %dma_start3A_182 : memref<1x1x80xi32, #tpu.memory_space<hbm>> -> memref<80xi32, #tpu.memory_space<hbm>>
        tpu.enqueue_dma source(%dma_start3A_183 : memref<80xi32, #tpu.memory_space<hbm>>) target(%arg9 : memref<80xi32, #tpu.memory_space<vmem>>) target_semaphore(%arg24 : memref<!tpu.dma_semaphore, #tpu.memory_space<semaphore_mem>>)
      } else {
      }
      %add3A_118 = arith.constant 2 : i32
      %add3A_119 = arith.addi %add3A_108, %add3A_118 : i32
      %lt3A = arith.constant 128 : i32
      %lt3A_120 = arith.cmpi slt, %add3A_119, %lt3A : i32
      %convert_element_type3A_121 = arith.extui %lt3A_120 : i1 to i32
      %cond3A_122 = arith.constant 0 : i32
      %cond3A_123 = arith.cmpi ne, %convert_element_type3A_121, %cond3A_122 : i32
      scf.if %cond3A_123 {
        %add3A_178 = arith.constant 2 : i32
        %add3A_179 = arith.addi %add3A_108, %add3A_178 : i32
        %dma_start3A_180 = arith.constant 0 : i32
        %dma_start3A_181 = tpu.memref_slice %arg4[%add3A, %add3A_179, %dma_start3A_180] : memref<32x128x80xi32, #tpu.memory_space<hbm>> -> memref<1x1x80xi32, #tpu.memory_space<hbm>>
        %dma_start3A_182 = tpu.memref_squeeze %dma_start3A_181 : memref<1x1x80xi32, #tpu.memory_space<hbm>> -> memref<80xi32, #tpu.memory_space<hbm>>
        %dma_start3A_183 = arith.constant 0 : i32
        %dma_start3A_184 = tpu.memref_slice %arg4[%add3A, %add3A_179, %dma_start3A_183] : memref<32x128x80xi32, #tpu.memory_space<hbm>> -> memref<1x1x80xi32, #tpu.memory_space<hbm>>
        %dma_start3A_185 = tpu.memref_squeeze %dma_start3A_184 : memref<1x1x80xi32, #tpu.memory_space<hbm>> -> memref<80xi32, #tpu.memory_space<hbm>>
        tpu.enqueue_dma source(%dma_start3A_185 : memref<80xi32, #tpu.memory_space<hbm>>) target(%arg7 : memref<80xi32, #tpu.memory_space<vmem>>) target_semaphore(%arg22 : memref<!tpu.dma_semaphore, #tpu.memory_space<semaphore_mem>>)
      } else {
      }
      %parallel_loop3A = arith.constant 0 : i32
      %parallel_loop3A_124 = arith.constant 80 : i32
      %parallel_loop3A_125 = arith.constant 1 : i32
      scf.for %parallel_loop3A_178 = %parallel_loop3A to %parallel_loop3A_124 step %parallel_loop3A_125  : i32 {
        %parallel_loop3A_179 = vector.broadcast %parallel_loop3A_178 : i32 to vector<16xi32>
        %parallel_loop3A_180 = tpu.vector_load_idx %arg15[%parallel_loop3A_179] : memref<80xf32, #tpu.memory_space<vmem>>[vector<16xi32>], vector<16xf32>,
      } {sc.loop_unroll_factor = 4 : i64, sc.parallel_access}
      %dma_wait3A_126 = arith.constant 0 : i32
      %dma_wait3A_127 = arith.constant 0 : i32
      %dma_wait3A_128 = tpu.memref_slice %arg5[%add3A, %dma_wait3A_126, %dma_wait3A_127] : memref<32x128x80xi32, #tpu.memory_space<hbm>> -> memref<1x1x80xi32, #tpu.memory_space<hbm>>
      %dma_wait3A_129 = tpu.memref_squeeze %dma_wait3A_128 : memref<1x1x80xi32, #tpu.memory_space<hbm>> -> memref<80xi32, #tpu.memory_space<hbm>>
      %dma_wait3A_130 = arith.constant 0 : i32
      %dma_wait3A_131 = tpu.memref_slice %arg5[%add3A, %dma_wait3A_126, %dma_wait3A_130] : memref<32x128x80xi32, #tpu.memory_space<hbm>> -> memref<1x1x80xi32, #tpu.memory_space<hbm>>
      %dma_wait3A_132 = tpu.memref_squeeze %dma_wait3A_131 : memref<1x1x80xi32, #tpu.memory_space<hbm>> -> memref<80xi32, #tpu.memory_space<hbm>>
      tpu.wait_dma2 semaphore(%arg24 : memref<!tpu.dma_semaphore, #tpu.memory_space<semaphore_mem>>) src(%dma_wait3A_132 : memref<80xi32, #tpu.memory_space<hbm>>) dst(%arg9 : memref<80xi32, #tpu.memory_space<vmem>>)
      %add3A_133 = arith.constant 2 : i32
      %add3A_134 = arith.addi %add3A_108, %add3A_133 : i32
      %lt3A_135 = arith.constant 128 : i32
      %lt3A_136 = arith.cmpi slt, %add3A_134, %lt3A_135 : i32
      %convert_element_type3A_137 = arith.extui %lt3A_136 : i1 to i32
      %cond3A_138 = arith.constant 0 : i32
      %cond3A_139 = arith.cmpi ne, %convert_element_type3A_137, %cond3A_138 : i32
      scf.if %cond3A_139 {
        %dma_wait3A_178 = arith.constant 0 : i32
        %dma_wait3A_179 = arith.constant 0 : i32
        %dma_wait3A_180 = tpu.memref_slice %arg4[%add3A, %dma_wait3A_178, %dma_wait3A_179] : memref<32x128x80xi32, #tpu.memory_space<hbm>> -> memref<1x1x80xi32, #tpu.memory_space<hbm>>
        %dma_wait3A_181 = tpu.memref_squeeze %dma_wait3A_180 : memref<1x1x80xi32, #tpu.memory_space<hbm>> -> memref<80xi32, #tpu.memory_space<hbm>>
        %dma_wait3A_182 = arith.constant 0 : i32
        %dma_wait3A_183 = tpu.memref_slice %arg4[%add3A, %dma_wait3A_178, %dma_wait3A_182] : memref<32x128x80xi32, #tpu.memory_space<hbm>> -> memref<1x1x80xi32, #tpu.memory_space<hbm>>
        %dma_wait3A_184 = tpu.memref_squeeze %dma_wait3A_183 : memref<1x1x80xi32, #tpu.memory_space<hbm>> -> memref<80xi32, #tpu.memory_space<hbm>>
        tpu.wait_dma2 semaphore(%arg22 : memref<!tpu.dma_semaphore, #tpu.memory_space<semaphore_mem>>) src(%dma_wait3A_184 : memref<80xi32, #tpu.memory_space<hbm>>) dst(%arg7 : memref<80xi32, #tpu.memory_space<vmem>>)
        %add3A_185 = arith.constant 2 : i32
        %add3A_186 = arith.addi %add3A_108, %add3A_185 : i32
        %dma_start3A_187 = arith.constant 0 : i32
        %dma_start3A_188 = tpu.memref_slice %arg3[%add3A, %add3A_186, %dma_start3A_187] : memref<32x128x80xf32, #tpu.memory_space<hbm>> -> memref<1x1x80xf32, #tpu.memory_space<hbm>>
        %dma_start3A_189 = tpu.memref_squeeze %dma_start3A_188 : memref<1x1x80xf32, #tpu.memory_space<hbm>> -> memref<80xf32, #tpu.memory_space<hbm>>
        %dma_start3A_190 = arith.constant 0 : i32
        %dma_start3A_191 = tpu.memref_slice %arg3[%add3A, %add3A_186, %dma_start3A_190] : memref<32x128x80xf32, #tpu.memory_space<hbm>> -> memref<1x1x80xf32, #tpu.memory_space<hbm>>
        %dma_start3A_192 = tpu.memref_squeeze %dma_start3A_191 : memref<1x1x80xf32, #tpu.memory_space<hbm>> -> memref<80xf32, #tpu.memory_space<hbm>>
        tpu.enqueue_dma source(%dma_start3A_192 : memref<80xf32, #tpu.memory_space<hbm>>) target(%arg15 : memref<80xf32, #tpu.memory_space<vmem>>) target_semaphore(%arg18 : memref<!tpu.dma_semaphore, #tpu.memory_space<semaphore_mem>>)
      } else {
      }
      %add3A_140 = arith.constant 1 : i32
      %add3A_141 = arith.addi %add3A_106, %add3A_140 : i32
      %dma_wait3A_142 = arith.constant 0 : i32
      %dma_wait3A_143 = arith.constant 0 : i32
      %dma_wait3A_144 = tpu.memref_slice %arg3[%add3A, %dma_wait3A_142, %dma_wait3A_143] : memref<32x128x80xf32, #tpu.memory_space<hbm>> -> memref<1x1x80xf32, #tpu.memory_space<hbm>>
      %dma_wait3A_145 = tpu.memref_squeeze %dma_wait3A_144 : memref<1x1x80xf32, #tpu.memory_space<hbm>> -> memref<80xf32, #tpu.memory_space<hbm>>
      %dma_wait3A_146 = arith.constant 0 : i32
      %dma_wait3A_147 = tpu.memref_slice %arg3[%add3A, %dma_wait3A_142, %dma_wait3A_146] : memref<32x128x80xf32, #tpu.memory_space<hbm>> -> memref<1x1x80xf32, #tpu.memory_space<hbm>>
      %dma_wait3A_148 = tpu.memref_squeeze %dma_wait3A_147 : memref<1x1x80xf32, #tpu.memory_space<hbm>> -> memref<80xf32, #tpu.memory_space<hbm>>
      tpu.wait_dma2 semaphore(%arg19 : memref<!tpu.dma_semaphore, #tpu.memory_space<semaphore_mem>>) src(%dma_wait3A_148 : memref<80xf32, #tpu.memory_space<hbm>>) dst(%arg16 : memref<80xf32, #tpu.memory_space<vmem>>)
      %ge3A_149 = arith.constant 2 : i32
      %ge3A_150 = arith.cmpi sge, %add3A_141, %ge3A_149 : i32
      %convert_element_type3A_151 = arith.extui %ge3A_150 : i1 to i32
      %cond3A_152 = arith.constant 0 : i32
      %cond3A_153 = arith.cmpi ne, %convert_element_type3A_151, %cond3A_152 : i32
      scf.if %cond3A_153 {
        %dma_start3A_178 = arith.constant 0 : i32
        %dma_start3A_179 = tpu.memref_slice %arg5[%add3A, %add3A_141, %dma_start3A_178] : memref<32x128x80xi32, #tpu.memory_space<hbm>> -> memref<1x1x80xi32, #tpu.memory_space<hbm>>
        %dma_start3A_180 = tpu.memref_squeeze %dma_start3A_179 : memref<1x1x80xi32, #tpu.memory_space<hbm>> -> memref<80xi32, #tpu.memory_space<hbm>>
        %dma_start3A_181 = arith.constant 0 : i32
        %dma_start3A_182 = tpu.memref_slice %arg5[%add3A, %add3A_141, %dma_start3A_181] : memref<32x128x80xi32, #tpu.memory_space<hbm>> -> memref<1x1x80xi32, #tpu.memory_space<hbm>>
        %dma_start3A_183 = tpu.memref_squeeze %dma_start3A_182 : memref<1x1x80xi32, #tpu.memory_space<hbm>> -> memref<80xi32, #tpu.memory_space<hbm>>
        tpu.enqueue_dma source(%dma_start3A_183 : memref<80xi32, #tpu.memory_space<hbm>>) target(%arg10 : memref<80xi32, #tpu.memory_space<vmem>>) target_semaphore(%arg25 : memref<!tpu.dma_semaphore, #tpu.memory_space<semaphore_mem>>)
      } else {
      }
      %add3A_154 = arith.constant 2 : i32
      %add3A_155 = arith.addi %add3A_141, %add3A_154 : i32
      %lt3A_156 = arith.constant 128 : i32
      %lt3A_157 = arith.cmpi slt, %add3A_155, %lt3A_156 : i32
      %convert_element_type3A_158 = arith.extui %lt3A_157 : i1 to i32
      %cond3A_159 = arith.constant 0 : i32
      %cond3A_160 = arith.cmpi ne, %convert_element_type3A_158, %cond3A_159 : i32
      scf.if %cond3A_160 {
        %add3A_178 = arith.constant 2 : i32
        %add3A_179 = arith.addi %add3A_141, %add3A_178 : i32
        %dma_start3A_180 = arith.constant 0 : i32
        %dma_start3A_181 = tpu.memref_slice %arg4[%add3A, %add3A_179, %dma_start3A_180] : memref<32x128x80xi32, #tpu.memory_space<hbm>> -> memref<1x1x80xi32, #tpu.memory_space<hbm>>
        %dma_start3A_182 = tpu.memref_squeeze %dma_start3A_181 : memref<1x1x80xi32, #tpu.memory_space<hbm>> -> memref<80xi32, #tpu.memory_space<hbm>>
        %dma_start3A_183 = arith.constant 0 : i32
        %dma_start3A_184 = tpu.memref_slice %arg4[%add3A, %add3A_179, %dma_start3A_183] : memref<32x128x80xi32, #tpu.memory_space<hbm>> -> memref<1x1x80xi32, #tpu.memory_space<hbm>>
        %dma_start3A_185 = tpu.memref_squeeze %dma_start3A_184 : memref<1x1x80xi32, #tpu.memory_space<hbm>> -> memref<80xi32, #tpu.memory_space<hbm>>
        tpu.enqueue_dma source(%dma_start3A_185 : memref<80xi32, #tpu.memory_space<hbm>>) target(%arg8 : memref<80xi32, #tpu.memory_space<vmem>>) target_semaphore(%arg23 : memref<!tpu.dma_semaphore, #tpu.memory_space<semaphore_mem>>)
      } else {
      }
      %parallel_loop3A_161 = arith.constant 0 : i32
      %parallel_loop3A_162 = arith.constant 80 : i32
      %parallel_loop3A_163 = arith.constant 1 : i32
      scf.for %parallel_loop3A_178 = %parallel_loop3A_161 to %parallel_loop3A_162 step %parallel_loop3A_163  : i32 {
        %parallel_loop3A_179 = vector.broadcast %parallel_loop3A_178 : i32 to vector<16xi32>
        %parallel_loop3A_180 = tpu.vector_load_idx %arg16[%parallel_loop3A_179] : memref<80xf32, #tpu.memory_space<vmem>>[vector<16xi32>], vector<16xf32>,
      } {sc.loop_unroll_factor = 4 : i64, sc.parallel_access}
      %dma_wait3A_164 = arith.constant 0 : i32
      %dma_wait3A_165 = arith.constant 0 : i32
      %dma_wait3A_166 = tpu.memref_slice %arg5[%add3A, %dma_wait3A_164, %dma_wait3A_165] : memref<32x128x80xi32, #tpu.memory_space<hbm>> -> memref<1x1x80xi32, #tpu.memory_space<hbm>>
      %dma_wait3A_167 = tpu.memref_squeeze %dma_wait3A_166 : memref<1x1x80xi32, #tpu.memory_space<hbm>> -> memref<80xi32, #tpu.memory_space<hbm>>
      %dma_wait3A_168 = arith.constant 0 : i32
      %dma_wait3A_169 = tpu.memref_slice %arg5[%add3A, %dma_wait3A_164, %dma_wait3A_168] : memref<32x128x80xi32, #tpu.memory_space<hbm>> -> memref<1x1x80xi32, #tpu.memory_space<hbm>>
      %dma_wait3A_170 = tpu.memref_squeeze %dma_wait3A_169 : memref<1x1x80xi32, #tpu.memory_space<hbm>> -> memref<80xi32, #tpu.memory_space<hbm>>
      tpu.wait_dma2 semaphore(%arg25 : memref<!tpu.dma_semaphore, #tpu.memory_space<semaphore_mem>>) src(%dma_wait3A_170 : memref<80xi32, #tpu.memory_space<hbm>>) dst(%arg10 : memref<80xi32, #tpu.memory_space<vmem>>)
      %add3A_171 = arith.constant 2 : i32
      %add3A_172 = arith.addi %add3A_141, %add3A_171 : i32
      %lt3A_173 = arith.constant 128 : i32
      %lt3A_174 = arith.cmpi slt, %add3A_172, %lt3A_173 : i32
      %convert_element_type3A_175 = arith.extui %lt3A_174 : i1 to i32
      %cond3A_176 = arith.constant 0 : i32
      %cond3A_177 = arith.cmpi ne, %convert_element_type3A_175, %cond3A_176 : i32
      scf.if %cond3A_177 {
        %dma_wait3A_178 = arith.constant 0 : i32
        %dma_wait3A_179 = arith.constant 0 : i32
        %dma_wait3A_180 = tpu.memref_slice %arg4[%add3A, %dma_wait3A_178, %dma_wait3A_179] : memref<32x128x80xi32, #tpu.memory_space<hbm>> -> memref<1x1x80xi32, #tpu.memory_space<hbm>>
        %dma_wait3A_181 = tpu.memref_squeeze %dma_wait3A_180 : memref<1x1x80xi32, #tpu.memory_space<hbm>> -> memref<80xi32, #tpu.memory_space<hbm>>
        %dma_wait3A_182 = arith.constant 0 : i32
        %dma_wait3A_183 = tpu.memref_slice %arg4[%add3A, %dma_wait3A_178, %dma_wait3A_182] : memref<32x128x80xi32, #tpu.memory_space<hbm>> -> memref<1x1x80xi32, #tpu.memory_space<hbm>>
        %dma_wait3A_184 = tpu.memref_squeeze %dma_wait3A_183 : memref<1x1x80xi32, #tpu.memory_space<hbm>> -> memref<80xi32, #tpu.memory_space<hbm>>
        tpu.wait_dma2 semaphore(%arg23 : memref<!tpu.dma_semaphore, #tpu.memory_space<semaphore_mem>>) src(%dma_wait3A_184 : memref<80xi32, #tpu.memory_space<hbm>>) dst(%arg8 : memref<80xi32, #tpu.memory_space<vmem>>)
        %add3A_185 = arith.constant 2 : i32
        %add3A_186 = arith.addi %add3A_141, %add3A_185 : i32
        %dma_start3A_187 = arith.constant 0 : i32
        %dma_start3A_188 = tpu.memref_slice %arg3[%add3A, %add3A_186, %dma_start3A_187] : memref<32x128x80xf32, #tpu.memory_space<hbm>> -> memref<1x1x80xf32, #tpu.memory_space<hbm>>
        %dma_start3A_189 = tpu.memref_squeeze %dma_start3A_188 : memref<1x1x80xf32, #tpu.memory_space<hbm>> -> memref<80xf32, #tpu.memory_space<hbm>>
        %dma_start3A_190 = arith.constant 0 : i32
        %dma_start3A_191 = tpu.memref_slice %arg3[%add3A, %add3A_186, %dma_start3A_190] : memref<32x128x80xf32, #tpu.memory_space<hbm>> -> memref<1x1x80xf32, #tpu.memory_space<hbm>>
        %dma_start3A_192 = tpu.memref_squeeze %dma_start3A_191 : memref<1x1x80xf32, #tpu.memory_space<hbm>> -> memref<80xf32, #tpu.memory_space<hbm>>
        tpu.enqueue_dma source(%dma_start3A_192 : memref<80xf32, #tpu.memory_space<hbm>>) target(%arg16 : memref<80xf32, #tpu.memory_space<vmem>>) target_semaphore(%arg19 : memref<!tpu.dma_semaphore, #tpu.memory_space<semaphore_mem>>)
      } else {
      }
    }
    %scan3A_96 = arith.constant 64 : i32
    %barrier3A_97 = arith.constant 0 : index
    tpu.barrier barrier_id(%barrier3A_97)
    %mul3A_98 = arith.constant 640 : i32
    %mul3A_99 = arith.muli %arg1, %mul3A_98 : i32
    %mul3A_100 = arith.constant 640 : i32
    %mul3A_101 = arith.muli %arg1, %mul3A_100 : i32
    "tpu.region"() ({
      %run_scoped3A = tpu.sem_alloc : memref<!tpu.dma_semaphore, #tpu.memory_space<semaphore_mem>>
      %dma_start3A_102 = arith.constant 0 : i32
      %dma_start3A_103 = tpu.memref_slice %arg6[%arg0, %mul3A_101, %dma_start3A_102] : memref<2x10240x128xf32, #tpu.memory_space<hbm>> -> memref<1x640x128xf32, #tpu.memory_space<hbm>>
      %dma_start3A_104 = tpu.memref_squeeze %dma_start3A_103 : memref<1x640x128xf32, #tpu.memory_space<hbm>> -> memref<640x128xf32, #tpu.memory_space<hbm>>
      %dma_start3A_105 = arith.constant 0 : i32
      %dma_start3A_106 = tpu.memref_slice %arg17[%mul3A_99, %dma_start3A_105] : memref<10240x128xf32, #tpu.memory_space<vmem_shared>> -> memref<640x128xf32, #tpu.memory_space<vmem_shared>>
      tpu.enqueue_dma source(%dma_start3A_106 : memref<640x128xf32, #tpu.memory_space<vmem_shared>>) target(%dma_start3A_104 : memref<640x128xf32, #tpu.memory_space<hbm>>) target_semaphore(%run_scoped3A : memref<!tpu.dma_semaphore, #tpu.memory_space<semaphore_mem>>)
      %dma_wait3A_107 = arith.constant 0 : i32
      %dma_wait3A_108 = tpu.memref_slice %arg6[%arg0, %mul3A_101, %dma_wait3A_107] : memref<2x10240x128xf32, #tpu.memory_space<hbm>> -> memref<1x640x128xf32, #tpu.memory_space<hbm>>
      %dma_wait3A_109 = tpu.memref_squeeze %dma_wait3A_108 : memref<1x640x128xf32, #tpu.memory_space<hbm>> -> memref<640x128xf32, #tpu.memory_space<hbm>>
      %dma_wait3A_110 = arith.constant 0 : i32
      %dma_wait3A_111 = tpu.memref_slice %arg17[%mul3A_99, %dma_wait3A_110] : memref<10240x128xf32, #tpu.memory_space<vmem_shared>> -> memref<640x128xf32, #tpu.memory_space<vmem_shared>>
      tpu.wait_dma2 semaphore(%run_scoped3A : memref<!tpu.dma_semaphore, #tpu.memory_space<semaphore_mem>>) src(%dma_wait3A_111 : memref<640x128xf32, #tpu.memory_space<vmem_shared>>) dst(%dma_wait3A_109 : memref<640x128xf32, #tpu.memory_space<hbm>>)
      tpu.yield
    }) : () -> ()
    return
  }
}

#map = affine_map<(d0, d1) -> (0)>
#map1 = affine_map<(d0, d1) -> (0, 0, 0)>
module attributes {stable_mosaic.version = 14 : i64} {
  func.func @k(%arg0: i32, %arg1: i32, %arg2: memref<10016xf32, #tpu.memory_space<hbm>>, %arg3: memref<10016xf32, #tpu.memory_space<hbm>>, %arg4: memref<32x80x128xi32, #tpu.memory_space<hbm>>, %arg5: memref<32x80x128xi32, #tpu.memory_space<hbm>>, %arg6: memref<32x80x128xf32, #tpu.memory_space<hbm>>, %arg7: memref<2x80x128xf32, #tpu.memory_space<hbm>>, %arg8: memref<10016xf32, #tpu.memory_space<vmem>>, %arg9: memref<10016xf32, #tpu.memory_space<vmem>>, %arg10: memref<80x128xi32, #tpu.memory_space<vmem>>, %arg11: memref<80x128xi32, #tpu.memory_space<vmem>>, %arg12: memref<80x128xf32, #tpu.memory_space<vmem>>, %arg13: memref<80x128xf32, #tpu.memory_space<vmem>>, %arg14: memref<80xi32, #tpu.memory_space<vmem>>, %arg15: memref<80x128xf32, #tpu.memory_space<vmem_shared>>, %arg16: memref<!tpu.dma_semaphore, #tpu.memory_space<semaphore_mem>>) attributes {dimension_semantics = [#tpu.dimension_semantics<core_parallel>, #tpu.dimension_semantics<subcore_parallel>], iteration_bounds = array<i64: 2, 16>, scalar_prefetch = 0 : i64, scratch_operands = 9 : i64, tpu.core_type = #tpu.core_type<sc_vector_subcore>, window_params = [{transform_indices = #map}, {transform_indices = #map}, {transform_indices = #map1}, {transform_indices = #map1}, {transform_indices = #map1}, {transform_indices = #map1}]} {
    %mul3A = arith.constant 16 : i32
    %mul3A_0 = arith.muli %arg0, %mul3A : i32
    %add3A = arith.addi %mul3A_0, %arg1 : i32
    %broadcast_in_dim3A = arith.constant 0.000000e+00 : f32
    %broadcast_in_dim3A_1 = vector.broadcast %broadcast_in_dim3A : f32 to vector<16xf32>
    %iota3A = tpu.iota {dimensions = array<i32: 0>} : vector<16xi32>
    tpu.enqueue_dma source(%arg2 : memref<10016xf32, #tpu.memory_space<hbm>>) target(%arg8 : memref<10016xf32, #tpu.memory_space<vmem>>) target_semaphore(%arg16 : memref<!tpu.dma_semaphore, #tpu.memory_space<semaphore_mem>>)
    tpu.enqueue_dma source(%arg3 : memref<10016xf32, #tpu.memory_space<hbm>>) target(%arg9 : memref<10016xf32, #tpu.memory_space<vmem>>) target_semaphore(%arg16 : memref<!tpu.dma_semaphore, #tpu.memory_space<semaphore_mem>>)
    %dma_start3A = arith.constant 0 : i32
    %dma_start3A_2 = arith.constant 0 : i32
    %dma_start3A_3 = tpu.memref_slice %arg4[%add3A, %dma_start3A, %dma_start3A_2] : memref<32x80x128xi32, #tpu.memory_space<hbm>> -> memref<1x80x128xi32, #tpu.memory_space<hbm>>
    %dma_start3A_4 = tpu.memref_squeeze %dma_start3A_3 : memref<1x80x128xi32, #tpu.memory_space<hbm>> -> memref<80x128xi32, #tpu.memory_space<hbm>>
    %dma_start3A_5 = arith.constant 0 : i32
    %dma_start3A_6 = arith.constant 0 : i32
    %dma_start3A_7 = tpu.memref_slice %arg4[%add3A, %dma_start3A_5, %dma_start3A_6] : memref<32x80x128xi32, #tpu.memory_space<hbm>> -> memref<1x80x128xi32, #tpu.memory_space<hbm>>
    %dma_start3A_8 = tpu.memref_squeeze %dma_start3A_7 : memref<1x80x128xi32, #tpu.memory_space<hbm>> -> memref<80x128xi32, #tpu.memory_space<hbm>>
    tpu.enqueue_dma source(%dma_start3A_8 : memref<80x128xi32, #tpu.memory_space<hbm>>) target(%arg10 : memref<80x128xi32, #tpu.memory_space<vmem>>) target_semaphore(%arg16 : memref<!tpu.dma_semaphore, #tpu.memory_space<semaphore_mem>>)
    %dma_start3A_9 = arith.constant 0 : i32
    %dma_start3A_10 = arith.constant 0 : i32
    %dma_start3A_11 = tpu.memref_slice %arg5[%add3A, %dma_start3A_9, %dma_start3A_10] : memref<32x80x128xi32, #tpu.memory_space<hbm>> -> memref<1x80x128xi32, #tpu.memory_space<hbm>>
    %dma_start3A_12 = tpu.memref_squeeze %dma_start3A_11 : memref<1x80x128xi32, #tpu.memory_space<hbm>> -> memref<80x128xi32, #tpu.memory_space<hbm>>
    %dma_start3A_13 = arith.constant 0 : i32
    %dma_start3A_14 = arith.constant 0 : i32
    %dma_start3A_15 = tpu.memref_slice %arg5[%add3A, %dma_start3A_13, %dma_start3A_14] : memref<32x80x128xi32, #tpu.memory_space<hbm>> -> memref<1x80x128xi32, #tpu.memory_space<hbm>>
    %dma_start3A_16 = tpu.memref_squeeze %dma_start3A_15 : memref<1x80x128xi32, #tpu.memory_space<hbm>> -> memref<80x128xi32, #tpu.memory_space<hbm>>
    tpu.enqueue_dma source(%dma_start3A_16 : memref<80x128xi32, #tpu.memory_space<hbm>>) target(%arg11 : memref<80x128xi32, #tpu.memory_space<vmem>>) target_semaphore(%arg16 : memref<!tpu.dma_semaphore, #tpu.memory_space<semaphore_mem>>)
    %scan3A = arith.constant 0 : i32
    %scan3A_17 = arith.constant 80 : i32
    %scan3A_18 = arith.addi %scan3A, %scan3A_17 : i32
    %scan3A_19 = arith.constant 1 : i32
    scf.for %scan3A_73 = %scan3A to %scan3A_18 step %scan3A_19  : i32 {
      %mul3A_74 = arith.constant 1 : i32
      %mul3A_75 = arith.muli %scan3A_73, %mul3A_74 : i32
      %add3A_76 = arith.constant 0 : i32
      %add3A_77 = arith.addi %add3A_76, %mul3A_75 : i32
      %swap3A_78 = arith.index_cast %add3A_77 : i32 to index
      %swap3A_79 = arith.constant 0 : index
      %swap3A_80 = tpu.vector_load %arg13[%swap3A_78, %swap3A_79] {strides = array<i32>} : memref<80x128xf32, #tpu.memory_space<vmem>>, vector<16xf32>,
      tpu.vector_store %arg13[%swap3A_78, %swap3A_79], %broadcast_in_dim3A_1 {strides = array<i32>} : memref<80x128xf32, #tpu.memory_space<vmem>>, vector<16xf32>,
      %swap3A_81 = arith.index_cast %add3A_77 : i32 to index
      %swap3A_82 = arith.constant 16 : index
      %swap3A_83 = tpu.vector_load %arg13[%swap3A_81, %swap3A_82] {strides = array<i32>} : memref<80x128xf32, #tpu.memory_space<vmem>>, vector<16xf32>,
      tpu.vector_store %arg13[%swap3A_81, %swap3A_82], %broadcast_in_dim3A_1 {strides = array<i32>} : memref<80x128xf32, #tpu.memory_space<vmem>>, vector<16xf32>,
      %swap3A_84 = arith.index_cast %add3A_77 : i32 to index
      %swap3A_85 = arith.constant 32 : index
      %swap3A_86 = tpu.vector_load %arg13[%swap3A_84, %swap3A_85] {strides = array<i32>} : memref<80x128xf32, #tpu.memory_space<vmem>>, vector<16xf32>,
      tpu.vector_store %arg13[%swap3A_84, %swap3A_85], %broadcast_in_dim3A_1 {strides = array<i32>} : memref<80x128xf32, #tpu.memory_space<vmem>>, vector<16xf32>,
      %swap3A_87 = arith.index_cast %add3A_77 : i32 to index
      %swap3A_88 = arith.constant 48 : index
      %swap3A_89 = tpu.vector_load %arg13[%swap3A_87, %swap3A_88] {strides = array<i32>} : memref<80x128xf32, #tpu.memory_space<vmem>>, vector<16xf32>,
      tpu.vector_store %arg13[%swap3A_87, %swap3A_88], %broadcast_in_dim3A_1 {strides = array<i32>} : memref<80x128xf32, #tpu.memory_space<vmem>>, vector<16xf32>,
      %swap3A_90 = arith.index_cast %add3A_77 : i32 to index
      %swap3A_91 = arith.constant 64 : index
      %swap3A_92 = tpu.vector_load %arg13[%swap3A_90, %swap3A_91] {strides = array<i32>} : memref<80x128xf32, #tpu.memory_space<vmem>>, vector<16xf32>,
      tpu.vector_store %arg13[%swap3A_90, %swap3A_91], %broadcast_in_dim3A_1 {strides = array<i32>} : memref<80x128xf32, #tpu.memory_space<vmem>>, vector<16xf32>,
      %swap3A_93 = arith.index_cast %add3A_77 : i32 to index
      %swap3A_94 = arith.constant 80 : index
      %swap3A_95 = tpu.vector_load %arg13[%swap3A_93, %swap3A_94] {strides = array<i32>} : memref<80x128xf32, #tpu.memory_space<vmem>>, vector<16xf32>,
      tpu.vector_store %arg13[%swap3A_93, %swap3A_94], %broadcast_in_dim3A_1 {strides = array<i32>} : memref<80x128xf32, #tpu.memory_space<vmem>>, vector<16xf32>,
      %swap3A_96 = arith.index_cast %add3A_77 : i32 to index
      %swap3A_97 = arith.constant 96 : index
      %swap3A_98 = tpu.vector_load %arg13[%swap3A_96, %swap3A_97] {strides = array<i32>} : memref<80x128xf32, #tpu.memory_space<vmem>>, vector<16xf32>,
      tpu.vector_store %arg13[%swap3A_96, %swap3A_97], %broadcast_in_dim3A_1 {strides = array<i32>} : memref<80x128xf32, #tpu.memory_space<vmem>>, vector<16xf32>,
      %swap3A_99 = arith.index_cast %add3A_77 : i32 to index
      %swap3A_100 = arith.constant 112 : index
      %swap3A_101 = tpu.vector_load %arg13[%swap3A_99, %swap3A_100] {strides = array<i32>} : memref<80x128xf32, #tpu.memory_space<vmem>>, vector<16xf32>,
      tpu.vector_store %arg13[%swap3A_99, %swap3A_100], %broadcast_in_dim3A_1 {strides = array<i32>} : memref<80x128xf32, #tpu.memory_space<vmem>>, vector<16xf32>,
    }
    %scan3A_20 = arith.constant 80 : i32
    %add3A_21 = arith.constant 0 : i32
    %add3A_22 = vector.broadcast %add3A_21 : i32 to vector<16xi32>
    %add3A_23 = arith.addi %add3A_22, %iota3A : vector<16xi32>
    %swap3A = arith.constant 0 : index
    %swap3A_24 = tpu.vector_load %arg14[%swap3A] {strides = array<i32>} : memref<80xi32, #tpu.memory_space<vmem>>, vector<16xi32>,
    tpu.vector_store %arg14[%swap3A], %add3A_23 {strides = array<i32>} : memref<80xi32, #tpu.memory_space<vmem>>, vector<16xi32>,
    %add3A_25 = arith.constant 16 : i32
    %add3A_26 = vector.broadcast %add3A_25 : i32 to vector<16xi32>
    %add3A_27 = arith.addi %add3A_26, %iota3A : vector<16xi32>
    %swap3A_28 = arith.constant 16 : index
    %swap3A_29 = tpu.vector_load %arg14[%swap3A_28] {strides = array<i32>} : memref<80xi32, #tpu.memory_space<vmem>>, vector<16xi32>,
    tpu.vector_store %arg14[%swap3A_28], %add3A_27 {strides = array<i32>} : memref<80xi32, #tpu.memory_space<vmem>>, vector<16xi32>,
    %add3A_30 = arith.constant 32 : i32
    %add3A_31 = vector.broadcast %add3A_30 : i32 to vector<16xi32>
    %add3A_32 = arith.addi %add3A_31, %iota3A : vector<16xi32>
    %swap3A_33 = arith.constant 32 : index
    %swap3A_34 = tpu.vector_load %arg14[%swap3A_33] {strides = array<i32>} : memref<80xi32, #tpu.memory_space<vmem>>, vector<16xi32>,
    tpu.vector_store %arg14[%swap3A_33], %add3A_32 {strides = array<i32>} : memref<80xi32, #tpu.memory_space<vmem>>, vector<16xi32>,
    %add3A_35 = arith.constant 48 : i32
    %add3A_36 = vector.broadcast %add3A_35 : i32 to vector<16xi32>
    %add3A_37 = arith.addi %add3A_36, %iota3A : vector<16xi32>
    %swap3A_38 = arith.constant 48 : index
    %swap3A_39 = tpu.vector_load %arg14[%swap3A_38] {strides = array<i32>} : memref<80xi32, #tpu.memory_space<vmem>>, vector<16xi32>,
    tpu.vector_store %arg14[%swap3A_38], %add3A_37 {strides = array<i32>} : memref<80xi32, #tpu.memory_space<vmem>>, vector<16xi32>,
    %add3A_40 = arith.constant 64 : i32
    %add3A_41 = vector.broadcast %add3A_40 : i32 to vector<16xi32>
    %add3A_42 = arith.addi %add3A_41, %iota3A : vector<16xi32>
    %swap3A_43 = arith.constant 64 : index
    %swap3A_44 = tpu.vector_load %arg14[%swap3A_43] {strides = array<i32>} : memref<80xi32, #tpu.memory_space<vmem>>, vector<16xi32>,
    tpu.vector_store %arg14[%swap3A_43], %add3A_42 {strides = array<i32>} : memref<80xi32, #tpu.memory_space<vmem>>, vector<16xi32>,
    %eq3A = arith.constant 0 : i32
    %eq3A_45 = arith.cmpi eq, %arg1, %eq3A : i32
    %convert_element_type3A = arith.extui %eq3A_45 : i1 to i32
    %cond3A = arith.constant 0 : i32
    %cond3A_46 = arith.cmpi ne, %convert_element_type3A, %cond3A : i32
    scf.if %cond3A_46 {
      "tpu.region"() ({
        %run_scoped3A = tpu.sem_alloc : memref<!tpu.dma_semaphore, #tpu.memory_space<semaphore_mem>>
        tpu.enqueue_dma source(%arg13 : memref<80x128xf32, #tpu.memory_space<vmem>>) target(%arg15 : memref<80x128xf32, #tpu.memory_space<vmem_shared>>) target_semaphore(%run_scoped3A : memref<!tpu.dma_semaphore, #tpu.memory_space<semaphore_mem>>)
        tpu.wait_dma2 semaphore(%run_scoped3A : memref<!tpu.dma_semaphore, #tpu.memory_space<semaphore_mem>>) src(%arg13 : memref<80x128xf32, #tpu.memory_space<vmem>>) dst(%arg15 : memref<80x128xf32, #tpu.memory_space<vmem_shared>>)
        tpu.yield
      }) : () -> ()
    } else {
    }
    tpu.wait_dma2 semaphore(%arg16 : memref<!tpu.dma_semaphore, #tpu.memory_space<semaphore_mem>>) src(%arg2 : memref<10016xf32, #tpu.memory_space<hbm>>) dst(%arg8 : memref<10016xf32, #tpu.memory_space<vmem>>)
    tpu.wait_dma2 semaphore(%arg16 : memref<!tpu.dma_semaphore, #tpu.memory_space<semaphore_mem>>) src(%arg3 : memref<10016xf32, #tpu.memory_space<hbm>>) dst(%arg9 : memref<10016xf32, #tpu.memory_space<vmem>>)
    %dma_wait3A = arith.constant 0 : i32
    %dma_wait3A_47 = arith.constant 0 : i32
    %dma_wait3A_48 = tpu.memref_slice %arg4[%add3A, %dma_wait3A, %dma_wait3A_47] : memref<32x80x128xi32, #tpu.memory_space<hbm>> -> memref<1x80x128xi32, #tpu.memory_space<hbm>>
    %dma_wait3A_49 = tpu.memref_squeeze %dma_wait3A_48 : memref<1x80x128xi32, #tpu.memory_space<hbm>> -> memref<80x128xi32, #tpu.memory_space<hbm>>
    %dma_wait3A_50 = arith.constant 0 : i32
    %dma_wait3A_51 = arith.constant 0 : i32
    %dma_wait3A_52 = tpu.memref_slice %arg4[%add3A, %dma_wait3A_50, %dma_wait3A_51] : memref<32x80x128xi32, #tpu.memory_space<hbm>> -> memref<1x80x128xi32, #tpu.memory_space<hbm>>
    %dma_wait3A_53 = tpu.memref_squeeze %dma_wait3A_52 : memref<1x80x128xi32, #tpu.memory_space<hbm>> -> memref<80x128xi32, #tpu.memory_space<hbm>>
    tpu.wait_dma2 semaphore(%arg16 : memref<!tpu.dma_semaphore, #tpu.memory_space<semaphore_mem>>) src(%dma_wait3A_53 : memref<80x128xi32, #tpu.memory_space<hbm>>) dst(%arg10 : memref<80x128xi32, #tpu.memory_space<vmem>>)
    %dma_wait3A_54 = arith.constant 0 : i32
    %dma_wait3A_55 = arith.constant 0 : i32
    %dma_wait3A_56 = tpu.memref_slice %arg5[%add3A, %dma_wait3A_54, %dma_wait3A_55] : memref<32x80x128xi32, #tpu.memory_space<hbm>> -> memref<1x80x128xi32, #tpu.memory_space<hbm>>
    %dma_wait3A_57 = tpu.memref_squeeze %dma_wait3A_56 : memref<1x80x128xi32, #tpu.memory_space<hbm>> -> memref<80x128xi32, #tpu.memory_space<hbm>>
    %dma_wait3A_58 = arith.constant 0 : i32
    %dma_wait3A_59 = arith.constant 0 : i32
    %dma_wait3A_60 = tpu.memref_slice %arg5[%add3A, %dma_wait3A_58, %dma_wait3A_59] : memref<32x80x128xi32, #tpu.memory_space<hbm>> -> memref<1x80x128xi32, #tpu.memory_space<hbm>>
    %dma_wait3A_61 = tpu.memref_squeeze %dma_wait3A_60 : memref<1x80x128xi32, #tpu.memory_space<hbm>> -> memref<80x128xi32, #tpu.memory_space<hbm>>
    tpu.wait_dma2 semaphore(%arg16 : memref<!tpu.dma_semaphore, #tpu.memory_space<semaphore_mem>>) src(%dma_wait3A_61 : memref<80x128xi32, #tpu.memory_space<hbm>>) dst(%arg11 : memref<80x128xi32, #tpu.memory_space<vmem>>)
    %barrier3A = arith.constant 0 : index
    tpu.barrier barrier_id(%barrier3A)
    %scan3A_62 = arith.constant 0 : i32
    %scan3A_63 = arith.constant 80 : i32
    %scan3A_64 = arith.addi %scan3A_62, %scan3A_63 : i32
    %scan3A_65 = arith.constant 1 : i32
    scf.for %scan3A_73 = %scan3A_62 to %scan3A_64 step %scan3A_65  : i32 {
      %mul3A_74 = arith.constant 1 : i32
      %mul3A_75 = arith.muli %scan3A_73, %mul3A_74 : i32
      %add3A_76 = arith.constant 0 : i32
      %add3A_77 = arith.addi %add3A_76, %mul3A_75 : i32
      %get3A = arith.index_cast %add3A_77 : i32 to index
      %get3A_78 = arith.constant 0 : index
      %get3A_79 = tpu.vector_load %arg10[%get3A, %get3A_78] {strides = array<i32>} : memref<80x128xi32, #tpu.memory_space<vmem>>, vector<16xi32>,
      %get3A_80 = arith.index_cast %add3A_77 : i32 to index
      %get3A_81 = arith.constant 0 : index
      %get3A_82 = tpu.vector_load %arg11[%get3A_80, %get3A_81] {strides = array<i32>} : memref<80x128xi32, #tpu.memory_space<vmem>>, vector<16xi32>,
      %gather3A = tpu.vector_load_idx %arg8[%get3A_79] : memref<10016xf32, #tpu.memory_space<vmem>>[vector<16xi32>], vector<16xf32>,
      %gather3A_83 = tpu.vector_load_idx %arg9[%get3A_82] : memref<10016xf32, #tpu.memory_space<vmem>>[vector<16xi32>], vector<16xf32>,
      %add3A_84 = arith.addf %gather3A, %gather3A_83 : vector<16xf32>
      %ge3A = arith.constant 0.000000e+00 : f32
      %ge3A_85 = vector.broadcast %ge3A : f32 to vector<16xf32>
      %ge3A_86 = arith.cmpf oge, %add3A_84, %ge3A_85 : vector<16xf32>
      %mul3A_87 = arith.constant 0.00999999977 : f32
      %mul3A_88 = vector.broadcast %mul3A_87 : f32 to vector<16xf32>
      %mul3A_89 = arith.mulf %add3A_84, %mul3A_88 : vector<16xf32>
      %select_n3A = arith.select %ge3A_86, %add3A_84, %mul3A_89 : vector<16xi1>, vector<16xf32>
      %exp3A = math.exp %select_n3A : vector<16xf32>
      %swap3A_90 = arith.index_cast %add3A_77 : i32 to index
      %swap3A_91 = arith.constant 0 : index
      %swap3A_92 = tpu.vector_load %arg12[%swap3A_90, %swap3A_91] {strides = array<i32>} : memref<80x128xf32, #tpu.memory_space<vmem>>, vector<16xf32>,
      tpu.vector_store %arg12[%swap3A_90, %swap3A_91], %exp3A {strides = array<i32>} : memref<80x128xf32, #tpu.memory_space<vmem>>, vector<16xf32>,
      %shift_right_logical3A = arith.constant 7 : i32
      %shift_right_logical3A_93 = vector.broadcast %shift_right_logical3A : i32 to vector<16xi32>
      %shift_right_logical3A_94 = arith.shrui %get3A_82, %shift_right_logical3A_93 : vector<16xi32>
      %and3A = arith.constant 127 : i32
      %and3A_95 = vector.broadcast %and3A : i32 to vector<16xi32>
      %and3A_96 = arith.andi %get3A_82, %and3A_95 : vector<16xi32>
      tpu.vector_store_idx %arg13[%shift_right_logical3A_94, %and3A_96], %exp3A {add = true} : memref<80x128xf32, #tpu.memory_space<vmem>>[vector<16xi32>, vector<16xi32>], vector<16xf32>,
      %get3A_97 = arith.index_cast %add3A_77 : i32 to index
      %get3A_98 = arith.constant 16 : index
      %get3A_99 = tpu.vector_load %arg10[%get3A_97, %get3A_98] {strides = array<i32>} : memref<80x128xi32, #tpu.memory_space<vmem>>, vector<16xi32>,
      %get3A_100 = arith.index_cast %add3A_77 : i32 to index
      %get3A_101 = arith.constant 16 : index
      %get3A_102 = tpu.vector_load %arg11[%get3A_100, %get3A_101] {strides = array<i32>} : memref<80x128xi32, #tpu.memory_space<vmem>>, vector<16xi32>,
      %gather3A_103 = tpu.vector_load_idx %arg8[%get3A_99] : memref<10016xf32, #tpu.memory_space<vmem>>[vector<16xi32>], vector<16xf32>,
      %gather3A_104 = tpu.vector_load_idx %arg9[%get3A_102] : memref<10016xf32, #tpu.memory_space<vmem>>[vector<16xi32>], vector<16xf32>,
      %add3A_105 = arith.addf %gather3A_103, %gather3A_104 : vector<16xf32>
      %ge3A_106 = arith.constant 0.000000e+00 : f32
      %ge3A_107 = vector.broadcast %ge3A_106 : f32 to vector<16xf32>
      %ge3A_108 = arith.cmpf oge, %add3A_105, %ge3A_107 : vector<16xf32>
      %mul3A_109 = arith.constant 0.00999999977 : f32
      %mul3A_110 = vector.broadcast %mul3A_109 : f32 to vector<16xf32>
      %mul3A_111 = arith.mulf %add3A_105, %mul3A_110 : vector<16xf32>
      %select_n3A_112 = arith.select %ge3A_108, %add3A_105, %mul3A_111 : vector<16xi1>, vector<16xf32>
      %exp3A_113 = math.exp %select_n3A_112 : vector<16xf32>
      %swap3A_114 = arith.index_cast %add3A_77 : i32 to index
      %swap3A_115 = arith.constant 16 : index
      %swap3A_116 = tpu.vector_load %arg12[%swap3A_114, %swap3A_115] {strides = array<i32>} : memref<80x128xf32, #tpu.memory_space<vmem>>, vector<16xf32>,
      tpu.vector_store %arg12[%swap3A_114, %swap3A_115], %exp3A_113 {strides = array<i32>} : memref<80x128xf32, #tpu.memory_space<vmem>>, vector<16xf32>,
      %shift_right_logical3A_117 = arith.constant 7 : i32
      %shift_right_logical3A_118 = vector.broadcast %shift_right_logical3A_117 : i32 to vector<16xi32>
      %shift_right_logical3A_119 = arith.shrui %get3A_102, %shift_right_logical3A_118 : vector<16xi32>
      %and3A_120 = arith.constant 127 : i32
      %and3A_121 = vector.broadcast %and3A_120 : i32 to vector<16xi32>
      %and3A_122 = arith.andi %get3A_102, %and3A_121 : vector<16xi32>
      tpu.vector_store_idx %arg13[%shift_right_logical3A_119, %and3A_122], %exp3A_113 {add = true} : memref<80x128xf32, #tpu.memory_space<vmem>>[vector<16xi32>, vector<16xi32>], vector<16xf32>,
      %get3A_123 = arith.index_cast %add3A_77 : i32 to index
      %get3A_124 = arith.constant 32 : index
      %get3A_125 = tpu.vector_load %arg10[%get3A_123, %get3A_124] {strides = array<i32>} : memref<80x128xi32, #tpu.memory_space<vmem>>, vector<16xi32>,
      %get3A_126 = arith.index_cast %add3A_77 : i32 to index
      %get3A_127 = arith.constant 32 : index
      %get3A_128 = tpu.vector_load %arg11[%get3A_126, %get3A_127] {strides = array<i32>} : memref<80x128xi32, #tpu.memory_space<vmem>>, vector<16xi32>,
      %gather3A_129 = tpu.vector_load_idx %arg8[%get3A_125] : memref<10016xf32, #tpu.memory_space<vmem>>[vector<16xi32>], vector<16xf32>,
      %gather3A_130 = tpu.vector_load_idx %arg9[%get3A_128] : memref<10016xf32, #tpu.memory_space<vmem>>[vector<16xi32>], vector<16xf32>,
      %add3A_131 = arith.addf %gather3A_129, %gather3A_130 : vector<16xf32>
      %ge3A_132 = arith.constant 0.000000e+00 : f32
      %ge3A_133 = vector.broadcast %ge3A_132 : f32 to vector<16xf32>
      %ge3A_134 = arith.cmpf oge, %add3A_131, %ge3A_133 : vector<16xf32>
      %mul3A_135 = arith.constant 0.00999999977 : f32
      %mul3A_136 = vector.broadcast %mul3A_135 : f32 to vector<16xf32>
      %mul3A_137 = arith.mulf %add3A_131, %mul3A_136 : vector<16xf32>
      %select_n3A_138 = arith.select %ge3A_134, %add3A_131, %mul3A_137 : vector<16xi1>, vector<16xf32>
      %exp3A_139 = math.exp %select_n3A_138 : vector<16xf32>
      %swap3A_140 = arith.index_cast %add3A_77 : i32 to index
      %swap3A_141 = arith.constant 32 : index
      %swap3A_142 = tpu.vector_load %arg12[%swap3A_140, %swap3A_141] {strides = array<i32>} : memref<80x128xf32, #tpu.memory_space<vmem>>, vector<16xf32>,
      tpu.vector_store %arg12[%swap3A_140, %swap3A_141], %exp3A_139 {strides = array<i32>} : memref<80x128xf32, #tpu.memory_space<vmem>>, vector<16xf32>,
      %shift_right_logical3A_143 = arith.constant 7 : i32
      %shift_right_logical3A_144 = vector.broadcast %shift_right_logical3A_143 : i32 to vector<16xi32>
      %shift_right_logical3A_145 = arith.shrui %get3A_128, %shift_right_logical3A_144 : vector<16xi32>
      %and3A_146 = arith.constant 127 : i32
      %and3A_147 = vector.broadcast %and3A_146 : i32 to vector<16xi32>
      %and3A_148 = arith.andi %get3A_128, %and3A_147 : vector<16xi32>
      tpu.vector_store_idx %arg13[%shift_right_logical3A_145, %and3A_148], %exp3A_139 {add = true} : memref<80x128xf32, #tpu.memory_space<vmem>>[vector<16xi32>, vector<16xi32>], vector<16xf32>,
      %get3A_149 = arith.index_cast %add3A_77 : i32 to index
      %get3A_150 = arith.constant 48 : index
      %get3A_151 = tpu.vector_load %arg10[%get3A_149, %get3A_150] {strides = array<i32>} : memref<80x128xi32, #tpu.memory_space<vmem>>, vector<16xi32>,
      %get3A_152 = arith.index_cast %add3A_77 : i32 to index
      %get3A_153 = arith.constant 48 : index
      %get3A_154 = tpu.vector_load %arg11[%get3A_152, %get3A_153] {strides = array<i32>} : memref<80x128xi32, #tpu.memory_space<vmem>>, vector<16xi32>,
      %gather3A_155 = tpu.vector_load_idx %arg8[%get3A_151] : memref<10016xf32, #tpu.memory_space<vmem>>[vector<16xi32>], vector<16xf32>,
      %gather3A_156 = tpu.vector_load_idx %arg9[%get3A_154] : memref<10016xf32, #tpu.memory_space<vmem>>[vector<16xi32>], vector<16xf32>,
      %add3A_157 = arith.addf %gather3A_155, %gather3A_156 : vector<16xf32>
      %ge3A_158 = arith.constant 0.000000e+00 : f32
      %ge3A_159 = vector.broadcast %ge3A_158 : f32 to vector<16xf32>
      %ge3A_160 = arith.cmpf oge, %add3A_157, %ge3A_159 : vector<16xf32>
      %mul3A_161 = arith.constant 0.00999999977 : f32
      %mul3A_162 = vector.broadcast %mul3A_161 : f32 to vector<16xf32>
      %mul3A_163 = arith.mulf %add3A_157, %mul3A_162 : vector<16xf32>
      %select_n3A_164 = arith.select %ge3A_160, %add3A_157, %mul3A_163 : vector<16xi1>, vector<16xf32>
      %exp3A_165 = math.exp %select_n3A_164 : vector<16xf32>
      %swap3A_166 = arith.index_cast %add3A_77 : i32 to index
      %swap3A_167 = arith.constant 48 : index
      %swap3A_168 = tpu.vector_load %arg12[%swap3A_166, %swap3A_167] {strides = array<i32>} : memref<80x128xf32, #tpu.memory_space<vmem>>, vector<16xf32>,
      tpu.vector_store %arg12[%swap3A_166, %swap3A_167], %exp3A_165 {strides = array<i32>} : memref<80x128xf32, #tpu.memory_space<vmem>>, vector<16xf32>,
      %shift_right_logical3A_169 = arith.constant 7 : i32
      %shift_right_logical3A_170 = vector.broadcast %shift_right_logical3A_169 : i32 to vector<16xi32>
      %shift_right_logical3A_171 = arith.shrui %get3A_154, %shift_right_logical3A_170 : vector<16xi32>
      %and3A_172 = arith.constant 127 : i32
      %and3A_173 = vector.broadcast %and3A_172 : i32 to vector<16xi32>
      %and3A_174 = arith.andi %get3A_154, %and3A_173 : vector<16xi32>
      tpu.vector_store_idx %arg13[%shift_right_logical3A_171, %and3A_174], %exp3A_165 {add = true} : memref<80x128xf32, #tpu.memory_space<vmem>>[vector<16xi32>, vector<16xi32>], vector<16xf32>,
      %get3A_175 = arith.index_cast %add3A_77 : i32 to index
      %get3A_176 = arith.constant 64 : index
      %get3A_177 = tpu.vector_load %arg10[%get3A_175, %get3A_176] {strides = array<i32>} : memref<80x128xi32, #tpu.memory_space<vmem>>, vector<16xi32>,
      %get3A_178 = arith.index_cast %add3A_77 : i32 to index
      %get3A_179 = arith.constant 64 : index
      %get3A_180 = tpu.vector_load %arg11[%get3A_178, %get3A_179] {strides = array<i32>} : memref<80x128xi32, #tpu.memory_space<vmem>>, vector<16xi32>,
      %gather3A_181 = tpu.vector_load_idx %arg8[%get3A_177] : memref<10016xf32, #tpu.memory_space<vmem>>[vector<16xi32>], vector<16xf32>,
      %gather3A_182 = tpu.vector_load_idx %arg9[%get3A_180] : memref<10016xf32, #tpu.memory_space<vmem>>[vector<16xi32>], vector<16xf32>,
      %add3A_183 = arith.addf %gather3A_181, %gather3A_182 : vector<16xf32>
      %ge3A_184 = arith.constant 0.000000e+00 : f32
      %ge3A_185 = vector.broadcast %ge3A_184 : f32 to vector<16xf32>
      %ge3A_186 = arith.cmpf oge, %add3A_183, %ge3A_185 : vector<16xf32>
      %mul3A_187 = arith.constant 0.00999999977 : f32
      %mul3A_188 = vector.broadcast %mul3A_187 : f32 to vector<16xf32>
      %mul3A_189 = arith.mulf %add3A_183, %mul3A_188 : vector<16xf32>
      %select_n3A_190 = arith.select %ge3A_186, %add3A_183, %mul3A_189 : vector<16xi1>, vector<16xf32>
      %exp3A_191 = math.exp %select_n3A_190 : vector<16xf32>
      %swap3A_192 = arith.index_cast %add3A_77 : i32 to index
      %swap3A_193 = arith.constant 64 : index
      %swap3A_194 = tpu.vector_load %arg12[%swap3A_192, %swap3A_193] {strides = array<i32>} : memref<80x128xf32, #tpu.memory_space<vmem>>, vector<16xf32>,
      tpu.vector_store %arg12[%swap3A_192, %swap3A_193], %exp3A_191 {strides = array<i32>} : memref<80x128xf32, #tpu.memory_space<vmem>>, vector<16xf32>,
      %shift_right_logical3A_195 = arith.constant 7 : i32
      %shift_right_logical3A_196 = vector.broadcast %shift_right_logical3A_195 : i32 to vector<16xi32>
      %shift_right_logical3A_197 = arith.shrui %get3A_180, %shift_right_logical3A_196 : vector<16xi32>
      %and3A_198 = arith.constant 127 : i32
      %and3A_199 = vector.broadcast %and3A_198 : i32 to vector<16xi32>
      %and3A_200 = arith.andi %get3A_180, %and3A_199 : vector<16xi32>
      tpu.vector_store_idx %arg13[%shift_right_logical3A_197, %and3A_200], %exp3A_191 {add = true} : memref<80x128xf32, #tpu.memory_space<vmem>>[vector<16xi32>, vector<16xi32>], vector<16xf32>,
      %get3A_201 = arith.index_cast %add3A_77 : i32 to index
      %get3A_202 = arith.constant 80 : index
      %get3A_203 = tpu.vector_load %arg10[%get3A_201, %get3A_202] {strides = array<i32>} : memref<80x128xi32, #tpu.memory_space<vmem>>, vector<16xi32>,
      %get3A_204 = arith.index_cast %add3A_77 : i32 to index
      %get3A_205 = arith.constant 80 : index
      %get3A_206 = tpu.vector_load %arg11[%get3A_204, %get3A_205] {strides = array<i32>} : memref<80x128xi32, #tpu.memory_space<vmem>>, vector<16xi32>,
      %gather3A_207 = tpu.vector_load_idx %arg8[%get3A_203] : memref<10016xf32, #tpu.memory_space<vmem>>[vector<16xi32>], vector<16xf32>,
      %gather3A_208 = tpu.vector_load_idx %arg9[%get3A_206] : memref<10016xf32, #tpu.memory_space<vmem>>[vector<16xi32>], vector<16xf32>,
      %add3A_209 = arith.addf %gather3A_207, %gather3A_208 : vector<16xf32>
      %ge3A_210 = arith.constant 0.000000e+00 : f32
      %ge3A_211 = vector.broadcast %ge3A_210 : f32 to vector<16xf32>
      %ge3A_212 = arith.cmpf oge, %add3A_209, %ge3A_211 : vector<16xf32>
      %mul3A_213 = arith.constant 0.00999999977 : f32
      %mul3A_214 = vector.broadcast %mul3A_213 : f32 to vector<16xf32>
      %mul3A_215 = arith.mulf %add3A_209, %mul3A_214 : vector<16xf32>
      %select_n3A_216 = arith.select %ge3A_212, %add3A_209, %mul3A_215 : vector<16xi1>, vector<16xf32>
      %exp3A_217 = math.exp %select_n3A_216 : vector<16xf32>
      %swap3A_218 = arith.index_cast %add3A_77 : i32 to index
      %swap3A_219 = arith.constant 80 : index
      %swap3A_220 = tpu.vector_load %arg12[%swap3A_218, %swap3A_219] {strides = array<i32>} : memref<80x128xf32, #tpu.memory_space<vmem>>, vector<16xf32>,
      tpu.vector_store %arg12[%swap3A_218, %swap3A_219], %exp3A_217 {strides = array<i32>} : memref<80x128xf32, #tpu.memory_space<vmem>>, vector<16xf32>,
      %shift_right_logical3A_221 = arith.constant 7 : i32
      %shift_right_logical3A_222 = vector.broadcast %shift_right_logical3A_221 : i32 to vector<16xi32>
      %shift_right_logical3A_223 = arith.shrui %get3A_206, %shift_right_logical3A_222 : vector<16xi32>
      %and3A_224 = arith.constant 127 : i32
      %and3A_225 = vector.broadcast %and3A_224 : i32 to vector<16xi32>
      %and3A_226 = arith.andi %get3A_206, %and3A_225 : vector<16xi32>
      tpu.vector_store_idx %arg13[%shift_right_logical3A_223, %and3A_226], %exp3A_217 {add = true} : memref<80x128xf32, #tpu.memory_space<vmem>>[vector<16xi32>, vector<16xi32>], vector<16xf32>,
      %get3A_227 = arith.index_cast %add3A_77 : i32 to index
      %get3A_228 = arith.constant 96 : index
      %get3A_229 = tpu.vector_load %arg10[%get3A_227, %get3A_228] {strides = array<i32>} : memref<80x128xi32, #tpu.memory_space<vmem>>, vector<16xi32>,
      %get3A_230 = arith.index_cast %add3A_77 : i32 to index
      %get3A_231 = arith.constant 96 : index
      %get3A_232 = tpu.vector_load %arg11[%get3A_230, %get3A_231] {strides = array<i32>} : memref<80x128xi32, #tpu.memory_space<vmem>>, vector<16xi32>,
      %gather3A_233 = tpu.vector_load_idx %arg8[%get3A_229] : memref<10016xf32, #tpu.memory_space<vmem>>[vector<16xi32>], vector<16xf32>,
      %gather3A_234 = tpu.vector_load_idx %arg9[%get3A_232] : memref<10016xf32, #tpu.memory_space<vmem>>[vector<16xi32>], vector<16xf32>,
      %add3A_235 = arith.addf %gather3A_233, %gather3A_234 : vector<16xf32>
      %ge3A_236 = arith.constant 0.000000e+00 : f32
      %ge3A_237 = vector.broadcast %ge3A_236 : f32 to vector<16xf32>
      %ge3A_238 = arith.cmpf oge, %add3A_235, %ge3A_237 : vector<16xf32>
      %mul3A_239 = arith.constant 0.00999999977 : f32
      %mul3A_240 = vector.broadcast %mul3A_239 : f32 to vector<16xf32>
      %mul3A_241 = arith.mulf %add3A_235, %mul3A_240 : vector<16xf32>
      %select_n3A_242 = arith.select %ge3A_238, %add3A_235, %mul3A_241 : vector<16xi1>, vector<16xf32>
      %exp3A_243 = math.exp %select_n3A_242 : vector<16xf32>
      %swap3A_244 = arith.index_cast %add3A_77 : i32 to index
      %swap3A_245 = arith.constant 96 : index
      %swap3A_246 = tpu.vector_load %arg12[%swap3A_244, %swap3A_245] {strides = array<i32>} : memref<80x128xf32, #tpu.memory_space<vmem>>, vector<16xf32>,
      tpu.vector_store %arg12[%swap3A_244, %swap3A_245], %exp3A_243 {strides = array<i32>} : memref<80x128xf32, #tpu.memory_space<vmem>>, vector<16xf32>,
      %shift_right_logical3A_247 = arith.constant 7 : i32
      %shift_right_logical3A_248 = vector.broadcast %shift_right_logical3A_247 : i32 to vector<16xi32>
      %shift_right_logical3A_249 = arith.shrui %get3A_232, %shift_right_logical3A_248 : vector<16xi32>
      %and3A_250 = arith.constant 127 : i32
      %and3A_251 = vector.broadcast %and3A_250 : i32 to vector<16xi32>
      %and3A_252 = arith.andi %get3A_232, %and3A_251 : vector<16xi32>
      tpu.vector_store_idx %arg13[%shift_right_logical3A_249, %and3A_252], %exp3A_243 {add = true} : memref<80x128xf32, #tpu.memory_space<vmem>>[vector<16xi32>, vector<16xi32>], vector<16xf32>,
      %get3A_253 = arith.index_cast %add3A_77 : i32 to index
      %get3A_254 = arith.constant 112 : index
      %get3A_255 = tpu.vector_load %arg10[%get3A_253, %get3A_254] {strides = array<i32>} : memref<80x128xi32, #tpu.memory_space<vmem>>, vector<16xi32>,
      %get3A_256 = arith.index_cast %add3A_77 : i32 to index
      %get3A_257 = arith.constant 112 : index
      %get3A_258 = tpu.vector_load %arg11[%get3A_256, %get3A_257] {strides = array<i32>} : memref<80x128xi32, #tpu.memory_space<vmem>>, vector<16xi32>,
      %gather3A_259 = tpu.vector_load_idx %arg8[%get3A_255] : memref<10016xf32, #tpu.memory_space<vmem>>[vector<16xi32>], vector<16xf32>,
      %gather3A_260 = tpu.vector_load_idx %arg9[%get3A_258] : memref<10016xf32, #tpu.memory_space<vmem>>[vector<16xi32>], vector<16xf32>,
      %add3A_261 = arith.addf %gather3A_259, %gather3A_260 : vector<16xf32>
      %ge3A_262 = arith.constant 0.000000e+00 : f32
      %ge3A_263 = vector.broadcast %ge3A_262 : f32 to vector<16xf32>
      %ge3A_264 = arith.cmpf oge, %add3A_261, %ge3A_263 : vector<16xf32>
      %mul3A_265 = arith.constant 0.00999999977 : f32
      %mul3A_266 = vector.broadcast %mul3A_265 : f32 to vector<16xf32>
      %mul3A_267 = arith.mulf %add3A_261, %mul3A_266 : vector<16xf32>
      %select_n3A_268 = arith.select %ge3A_264, %add3A_261, %mul3A_267 : vector<16xi1>, vector<16xf32>
      %exp3A_269 = math.exp %select_n3A_268 : vector<16xf32>
      %swap3A_270 = arith.index_cast %add3A_77 : i32 to index
      %swap3A_271 = arith.constant 112 : index
      %swap3A_272 = tpu.vector_load %arg12[%swap3A_270, %swap3A_271] {strides = array<i32>} : memref<80x128xf32, #tpu.memory_space<vmem>>, vector<16xf32>,
      tpu.vector_store %arg12[%swap3A_270, %swap3A_271], %exp3A_269 {strides = array<i32>} : memref<80x128xf32, #tpu.memory_space<vmem>>, vector<16xf32>,
      %shift_right_logical3A_273 = arith.constant 7 : i32
      %shift_right_logical3A_274 = vector.broadcast %shift_right_logical3A_273 : i32 to vector<16xi32>
      %shift_right_logical3A_275 = arith.shrui %get3A_258, %shift_right_logical3A_274 : vector<16xi32>
      %and3A_276 = arith.constant 127 : i32
      %and3A_277 = vector.broadcast %and3A_276 : i32 to vector<16xi32>
      %and3A_278 = arith.andi %get3A_258, %and3A_277 : vector<16xi32>
      tpu.vector_store_idx %arg13[%shift_right_logical3A_275, %and3A_278], %exp3A_269 {add = true} : memref<80x128xf32, #tpu.memory_space<vmem>>[vector<16xi32>, vector<16xi32>], vector<16xf32>,
    }
    %scan3A_66 = arith.constant 80 : i32
    "tpu.region"() ({
      %run_scoped3A = tpu.sem_alloc : memref<!tpu.dma_semaphore, #tpu.memory_space<semaphore_mem>>
      %dma_start3A_73 = arith.constant 0 : i32
      %dma_start3A_74 = arith.constant 0 : i32
      %dma_start3A_75 = tpu.memref_slice %arg6[%add3A, %dma_start3A_73, %dma_start3A_74] : memref<32x80x128xf32, #tpu.memory_space<hbm>> -> memref<1x80x128xf32, #tpu.memory_space<hbm>>
      %dma_start3A_76 = tpu.memref_squeeze %dma_start3A_75 : memref<1x80x128xf32, #tpu.memory_space<hbm>> -> memref<80x128xf32, #tpu.memory_space<hbm>>
      %dma_start3A_77 = arith.constant 0 : i32
      %dma_start3A_78 = arith.constant 0 : i32
      %dma_start3A_79 = tpu.memref_slice %arg6[%add3A, %dma_start3A_77, %dma_start3A_78] : memref<32x80x128xf32, #tpu.memory_space<hbm>> -> memref<1x80x128xf32, #tpu.memory_space<hbm>>
      %dma_start3A_80 = tpu.memref_squeeze %dma_start3A_79 : memref<1x80x128xf32, #tpu.memory_space<hbm>> -> memref<80x128xf32, #tpu.memory_space<hbm>>
      tpu.enqueue_dma source(%arg12 : memref<80x128xf32, #tpu.memory_space<vmem>>) target(%dma_start3A_80 : memref<80x128xf32, #tpu.memory_space<hbm>>) target_semaphore(%run_scoped3A : memref<!tpu.dma_semaphore, #tpu.memory_space<semaphore_mem>>)
      %dma_wait3A_81 = arith.constant 0 : i32
      %dma_wait3A_82 = arith.constant 0 : i32
      %dma_wait3A_83 = tpu.memref_slice %arg6[%add3A, %dma_wait3A_81, %dma_wait3A_82] : memref<32x80x128xf32, #tpu.memory_space<hbm>> -> memref<1x80x128xf32, #tpu.memory_space<hbm>>
      %dma_wait3A_84 = tpu.memref_squeeze %dma_wait3A_83 : memref<1x80x128xf32, #tpu.memory_space<hbm>> -> memref<80x128xf32, #tpu.memory_space<hbm>>
      %dma_wait3A_85 = arith.constant 0 : i32
      %dma_wait3A_86 = arith.constant 0 : i32
      %dma_wait3A_87 = tpu.memref_slice %arg6[%add3A, %dma_wait3A_85, %dma_wait3A_86] : memref<32x80x128xf32, #tpu.memory_space<hbm>> -> memref<1x80x128xf32, #tpu.memory_space<hbm>>
      %dma_wait3A_88 = tpu.memref_squeeze %dma_wait3A_87 : memref<1x80x128xf32, #tpu.memory_space<hbm>> -> memref<80x128xf32, #tpu.memory_space<hbm>>
      tpu.wait_dma2 semaphore(%run_scoped3A : memref<!tpu.dma_semaphore, #tpu.memory_space<semaphore_mem>>) src(%arg12 : memref<80x128xf32, #tpu.memory_space<vmem>>) dst(%dma_wait3A_88 : memref<80x128xf32, #tpu.memory_space<hbm>>)
      tpu.yield
    }) : () -> ()
    "tpu.region"() ({
      %run_scoped3A = tpu.sem_alloc : memref<!tpu.dma_semaphore, #tpu.memory_space<semaphore_mem>>
      %dma_start3A_73 = arith.constant 0 : i32
      %dma_start3A_74 = arith.constant 0 : i32
      %dma_start3A_75 = tpu.memref_slice %arg15[%dma_start3A_73, %dma_start3A_74] : memref<80x128xf32, #tpu.memory_space<vmem_shared>> -> memref<80x128xf32, #tpu.memory_space<vmem_shared>>
      tpu.enqueue_indirect_dma source(%arg13 : memref<80x128xf32, #tpu.memory_space<vmem>>) target(%dma_start3A_75 : memref<80x128xf32, #tpu.memory_space<vmem_shared>>) offsets(%arg14 : memref<80xi32, #tpu.memory_space<vmem>>) semaphore(%run_scoped3A : memref<!tpu.dma_semaphore, #tpu.memory_space<semaphore_mem>>) {add = true}
      %dma_wait3A_76 = arith.constant 0 : i32
      %dma_wait3A_77 = arith.constant 0 : i32
      %dma_wait3A_78 = tpu.memref_slice %arg15[%dma_wait3A_76, %dma_wait3A_77] : memref<80x128xf32, #tpu.memory_space<vmem_shared>> -> memref<80x128xf32, #tpu.memory_space<vmem_shared>>
      tpu.wait_indirect_dma semaphore(%run_scoped3A : memref<!tpu.dma_semaphore, #tpu.memory_space<semaphore_mem>>) src(%arg13 : memref<80x128xf32, #tpu.memory_space<vmem>>) dst(%dma_wait3A_78 : memref<80x128xf32, #tpu.memory_space<vmem_shared>>)
      tpu.yield
    }) : () -> ()
    %barrier3A_67 = arith.constant 0 : index
    tpu.barrier barrier_id(%barrier3A_67)
    %eq3A_68 = arith.constant 0 : i32
    %eq3A_69 = arith.cmpi eq, %arg1, %eq3A_68 : i32
    %convert_element_type3A_70 = arith.extui %eq3A_69 : i1 to i32
    %cond3A_71 = arith.constant 0 : i32
    %cond3A_72 = arith.cmpi ne, %convert_element_type3A_70, %cond3A_71 : i32
    scf.if %cond3A_72 {
      "tpu.region"() ({
        %run_scoped3A = tpu.sem_alloc : memref<!tpu.dma_semaphore, #tpu.memory_space<semaphore_mem>>
        %dma_start3A_73 = arith.constant 0 : i32
        %dma_start3A_74 = arith.constant 0 : i32
        %dma_start3A_75 = tpu.memref_slice %arg7[%arg0, %dma_start3A_73, %dma_start3A_74] : memref<2x80x128xf32, #tpu.memory_space<hbm>> -> memref<1x80x128xf32, #tpu.memory_space<hbm>>
        %dma_start3A_76 = tpu.memref_squeeze %dma_start3A_75 : memref<1x80x128xf32, #tpu.memory_space<hbm>> -> memref<80x128xf32, #tpu.memory_space<hbm>>
        tpu.enqueue_dma source(%arg15 : memref<80x128xf32, #tpu.memory_space<vmem_shared>>) target(%dma_start3A_76 : memref<80x128xf32, #tpu.memory_space<hbm>>) target_semaphore(%run_scoped3A : memref<!tpu.dma_semaphore, #tpu.memory_space<semaphore_mem>>)
        %dma_wait3A_77 = arith.constant 0 : i32
        %dma_wait3A_78 = arith.constant 0 : i32
        %dma_wait3A_79 = tpu.memref_slice %arg7[%arg0, %dma_wait3A_77, %dma_wait3A_78] : memref<2x80x128xf32, #tpu.memory_space<hbm>> -> memref<1x80x128xf32, #tpu.memory_space<hbm>>
        %dma_wait3A_80 = tpu.memref_squeeze %dma_wait3A_79 : memref<1x80x128xf32, #tpu.memory_space<hbm>> -> memref<80x128xf32, #tpu.memory_space<hbm>>
        tpu.wait_dma2 semaphore(%run_scoped3A : memref<!tpu.dma_semaphore, #tpu.memory_space<semaphore_mem>>) src(%arg15 : memref<80x128xf32, #tpu.memory_space<vmem_shared>>) dst(%dma_wait3A_80 : memref<80x128xf32, #tpu.memory_space<hbm>>)
        tpu.yield
      }) : () -> ()
    } else {
    }
    return
  }
}

module attributes {stable_mosaic.version = 14 : i64} {
  func.func @mm(%arg0: memref<10000x128xf32, #tpu.memory_space<vmem>>, %arg1: memref<128x128xf32, #tpu.memory_space<vmem>>, %arg2: memref<128x2xf32, #tpu.memory_space<vmem>>, %arg3: memref<10000x128xf32, #tpu.memory_space<vmem>>, %arg4: memref<10000x2xf32, #tpu.memory_space<vmem>>) attributes {dimension_semantics = [], scalar_prefetch = 0 : i64, scratch_operands = 0 : i64, tpu.core_type = #tpu.core_type<tc>} {
    %get3A = arith.constant 0 : index
    %get3A_0 = arith.constant 0 : index
    %get3A_1 = vector.load %arg0[%get3A, %get3A_0] : memref<10000x128xf32, #tpu.memory_space<vmem>>, vector<10000x128xf32>
    %get3A_2 = arith.constant 0 : index
    %get3A_3 = arith.constant 0 : index
    %get3A_4 = vector.load %arg1[%get3A_2, %get3A_3] : memref<128x128xf32, #tpu.memory_space<vmem>>, vector<128x128xf32>
    %dot_general3A = arith.constant dense<0.000000e+00> : vector<10000x128xf32>
    %dot_general3A_5 = tpu.matmul %get3A_1, %get3A_4, %dot_general3A {dimension_numbers = #tpu.dot_dimension_numbers<[1], [0], [0], [1], [0, 0, 1, 1], [], []>, precision = #tpu.contract_precision<fp32>, transpose_lhs_hint = false} : vector<10000x128xf32>, vector<128x128xf32>, vector<10000x128xf32> -> vector<10000x128xf32>
    %swap3A = arith.constant 0 : index
    %swap3A_6 = arith.constant 0 : index
    %swap3A_7 = vector.load %arg3[%swap3A, %swap3A_6] : memref<10000x128xf32, #tpu.memory_space<vmem>>, vector<10000x128xf32>
    tpu.vector_store %arg3[%swap3A, %swap3A_6], %dot_general3A_5 {strides = array<i32>} : memref<10000x128xf32, #tpu.memory_space<vmem>>, vector<10000x128xf32>,
    %get3A_8 = arith.constant 0 : index
    %get3A_9 = arith.constant 0 : index
    %get3A_10 = vector.load %arg2[%get3A_8, %get3A_9] : memref<128x2xf32, #tpu.memory_space<vmem>>, vector<128x2xf32>
    %dot_general3A_11 = arith.constant dense<0.000000e+00> : vector<10000x2xf32>
    %dot_general3A_12 = tpu.matmul %dot_general3A_5, %get3A_10, %dot_general3A_11 {dimension_numbers = #tpu.dot_dimension_numbers<[1], [0], [0], [1], [0, 0, 1, 1], [], []>, precision = #tpu.contract_precision<fp32>, transpose_lhs_hint = false} : vector<10000x128xf32>, vector<128x2xf32>, vector<10000x2xf32> -> vector<10000x2xf32>
    %swap3A_13 = arith.constant 0 : index
    %swap3A_14 = arith.constant 0 : index
    %swap3A_15 = vector.load %arg4[%swap3A_13, %swap3A_14] : memref<10000x2xf32, #tpu.memory_space<vmem>>, vector<10000x2xf32>
    tpu.vector_store %arg4[%swap3A_13, %swap3A_14], %dot_general3A_12 {strides = array<i32>} : memref<10000x2xf32, #tpu.memory_space<vmem>>, vector<10000x2xf32>,
    return
  }
}

module attributes {stable_mosaic.version = 14 : i64} {
  func.func @comb(%arg0: memref<2x10240x128xf32, #tpu.memory_space<vmem>>, %arg1: memref<2x10240x1xf32, #tpu.memory_space<vmem>>, %arg2: memref<10000x128xf32, #tpu.memory_space<vmem>>) attributes {dimension_semantics = [], scalar_prefetch = 0 : i64, scratch_operands = 0 : i64, tpu.core_type = #tpu.core_type<tc>} {
    %get3A = arith.constant 0 : index
    %get3A_0 = arith.constant 0 : index
    %get3A_1 = arith.constant 0 : index
    %get3A_2 = vector.load %arg0[%get3A, %get3A_0, %get3A_1] : memref<2x10240x128xf32, #tpu.memory_space<vmem>>, vector<1x10240x128xf32>
    %get3A_3 = vector.shape_cast %get3A_2 : vector<1x10240x128xf32> to vector<10240x128xf32>
    %get3A_4 = arith.constant 1 : index
    %get3A_5 = arith.constant 0 : index
    %get3A_6 = arith.constant 0 : index
    %get3A_7 = vector.load %arg0[%get3A_4, %get3A_5, %get3A_6] : memref<2x10240x128xf32, #tpu.memory_space<vmem>>, vector<1x10240x128xf32>
    %get3A_8 = vector.shape_cast %get3A_7 : vector<1x10240x128xf32> to vector<10240x128xf32>
    %add3A = arith.addf %get3A_3, %get3A_8 : vector<10240x128xf32>
    %get3A_9 = arith.constant 0 : index
    %get3A_10 = arith.constant 0 : index
    %get3A_11 = arith.constant 0 : index
    %get3A_12 = vector.load %arg1[%get3A_9, %get3A_10, %get3A_11] : memref<2x10240x1xf32, #tpu.memory_space<vmem>>, vector<1x10240x1xf32>
    %get3A_13 = vector.shape_cast %get3A_12 : vector<1x10240x1xf32> to vector<10240x1xf32>
    %get3A_14 = arith.constant 1 : index
    %get3A_15 = arith.constant 0 : index
    %get3A_16 = arith.constant 0 : index
    %get3A_17 = vector.load %arg1[%get3A_14, %get3A_15, %get3A_16] : memref<2x10240x1xf32, #tpu.memory_space<vmem>>, vector<1x10240x1xf32>
    %get3A_18 = vector.shape_cast %get3A_17 : vector<1x10240x1xf32> to vector<10240x1xf32>
    %add3A_19 = arith.addf %get3A_13, %get3A_18 : vector<10240x1xf32>
    %gt3A = arith.constant 0.000000e+00 : f32
    %gt3A_20 = vector.broadcast %gt3A : f32 to vector<10240x1xf32>
    %gt3A_21 = arith.cmpf ogt, %add3A_19, %gt3A_20 : vector<10240x1xf32>
    %div3A = vector.broadcast %add3A_19 : vector<10240x1xf32> to vector<10240x128xf32>
    %div3A_22 = arith.divf %add3A, %div3A : vector<10240x128xf32>
    %jit3A = arith.constant 0.000000e+00 : f32
    %broadcast_in_dim3A = vector.shape_cast %gt3A_21 : vector<10240x1xi1> to vector<10240x1xi1>
    %broadcast_in_dim3A_23 = vector.broadcast %broadcast_in_dim3A : vector<10240x1xi1> to vector<10240x128xi1>
    %broadcast_in_dim3A_24 = vector.broadcast %jit3A : f32 to vector<10240x128xf32>
    %select_n3A = arith.select %broadcast_in_dim3A_23, %div3A_22, %broadcast_in_dim3A_24 : vector<10240x128xi1>, vector<10240x128xf32>
    %slice3A = vector.extract_strided_slice %select_n3A {offsets = [0, 0], sizes = [10000, 128], strides = [1, 1]} : vector<10240x128xf32> to vector<10000x128xf32>
    %swap3A = arith.constant 0 : index
    %swap3A_25 = arith.constant 0 : index
    %swap3A_26 = vector.load %arg2[%swap3A, %swap3A_25] : memref<10000x128xf32, #tpu.memory_space<vmem>>, vector<10000x128xf32>
    tpu.vector_store %arg2[%swap3A, %swap3A_25], %slice3A {strides = array<i32>} : memref<10000x128xf32, #tpu.memory_space<vmem>>, vector<10000x128xf32>,
    return
  }
}

</mosaic_0001>

<sc_bundles>
// kernel: kernel.6.cloned.1.call-start
scs
__scs_entry_jumppad:
0x0: {  	(pc) =	sbr.rel $0x88, $3  }
0x1: {  	(tag) =	ssettag $0x0;
	lr =	simm.s32 $0x1  }
0x2: {  	[smem:$0x3F9D] =	sst lr;
	_ =	strace $0xD0000000  }
0x3: {  	_ = 	snop  }
0x4: {  	_ = 	snop  }
0x5: {  	_ = 	snop  }
0x6: {  	_ = 	snop  }
0x7: {  	_ = 	snop  }
__scs_overlays_trampoline_lowered:
0x8: {  	[smem:$0x3FAC] =	sst s0  }
0x9: {  	[smem:$0x3FAD] =	sst s1  }
0xa: {  	[smem:$0x3FAE] =	sst s2  }
0xb: {  	[smem:$0x3FAF] =	sst s3  }
0xc: {  	[smem:$0x3FB0] =	sst s4  }
0xd: {  	[smem:$0x3FB1] =	sst s5  }
0xe: {  	[smem:$0x3FB2] =	sst s6  }
0xf: {  	[smem:$0x3FB3] =	sst s7  }
0x10: {  	[smem:$0x3FB4] =	sst s8  }
0x11: {  	[smem:$0x3FB5] =	sst s9;
	s0 =	simm.s32 @!p0 $0x0  }
0x12: {  	s1 =	sld [smem:$0x3F9B];
	s0 =	simm.s32 @p0 $0x1  }
0x13: {  	[smem:$0x3FB6] =	sst s0;
	s0 =	simm.s32 @!p1 $0x0  }
0x14: {  	s2 =	sld [smem:$0x3F9A];
	s0 =	simm.s32 @p1 $0x1  }
0x15: {  	[smem:$0x3FB7] =	sst s0;
	s0 =	simm.s32 @!p2 $0x0  }
0x16: {  	s3 =	sld [smem:$0x3FDB];
	s0 =	simm.s32 @p2 $0x1  }
0x17: {  	s4 =	simm.s32 $0x1BF5;
	[smem:$0x3FB9] =	sst s0  }
0x18: {  	s0 =	sld [smem:$0x3F9C];
	_ =	swait.ge [sflag:s4], $0x0  }
0x19: {  	s7 =	sld [smem:$0x3F9D]  }
0x1a: {  	s8 =	sadd.s32 $0xFFFFE003, lr  }
0x1b: {  	s9 =	sadd.s32 $0xFFFFFEF7, lr;
	s5 =	simm.s32 $0xFFFFFFFF;
	p2 =	slt.u32 s8, $0xFFFFF086  }
0x1c: {  	p1 =	slt.u32 s9, $0xF7A;
	s5 =	simm.s32 @!p2 $0x0  }
0x1d: {  	s5 =	simm.s32 @p1 $0x1;
	p0 =	seq.s32 s7, s2  }
0x1e: {  	s7 =	smul.u32 @!p0 $0xF7A, s2;
	p2 =	seq.s32 @!p0 s5, $0x0  }
0x1f: {  	s9 =	smul.u32 $0xF7A, s1;
	s8 =	simm.s32 @!p0 $0x1BF5;
	p2 =	por !p2, p0  }
0x20: {  	[sflag:s8] =	ssyncset.s32 @!p0 $0xFFFFF086;
	s6 =	sadd.s32 @!p0 s3, s7;
	s7 =	simm.s32 @!p0 $0x108  }
0x21: {  	s3 =	sadd.s32 s3, s9;
	s6 =	sadd.s32 @!p0 $0x88, s6;
	s7 =	simm.s32 @p2 $0x1082  }
0x22: {  	[simem:s7], [sflag:s8] =	dma.local @!p0 [hbm:s6], $0xF7A  }
0x23: {  	s9 =	sor.u32 $0xD0000000, s2;
	s6 =	simm.s32 $0x108;
	_ =	swait.ge @!p0 [sflag:s8], $0x0  }
0x24: {  	s3 =	sadd.s32 $0x88, s3;
	s6 =	simm.s32 @!p1 $0x1082;
	[sflag:s4] =	ssyncset.s32 $0xFFFFF086  }
0x25: {  	[simem:s6], [sflag:s4] =	dma.local [hbm:s3], $0xF7A  }
0x26: {  	[smem:$0x3F9D] =	sst s1;
	(tag) =	ssettag s2;
	_ =	strace s9  }
0x27: {  	s1 =	sld [smem:$0x3FAD]  }
0x28: {  	s2 =	sld [smem:$0x3FAE]  }
0x29: {  	s4 =	sld [smem:$0x3FB0]  }
0x2a: {  	p0 =	seq.s32 s5, $0x0;
	s5 =	sld [smem:$0x3FB1]  }
0x2b: {  	s6 =	sld [smem:$0x3FB2]  }
0x2c: {  	s7 =	sld [smem:$0x3FB3]  }
0x2d: {  	s3 =	simm.s32 $0x108;
	s8 =	sld [smem:$0x3FB4]  }
0x2e: {  	s3 =	simm.s32 @!p0 $0x1082;
	s9 =	sld [smem:$0x3FB5]  }
0x2f: {  	lr =	sadd.s32 s0, s3;
	s0 =	sld [smem:$0x3FAC]  }
0x30: {  	s3 =	sld [smem:$0x3FAF]  }
0x31: {  	[smem:$0x3FB8] =	sst s10  }
0x32: {  	s10 =	sld [smem:$0x3FB6];
	_ =	sdelay $0x3  }
0x33: {  	p0 =	seq.s32 s10, $0x1;
	s10 =	sld [smem:$0x3FB8];
	_ =	sdelay $0x3  }
0x34: {  	[smem:$0x3FB8] =	sst s10  }
0x35: {  	s10 =	sld [smem:$0x3FB7];
	_ =	sdelay $0x3  }
0x36: {  	p1 =	seq.s32 s10, $0x1;
	s10 =	sld [smem:$0x3FB8];
	_ =	sdelay $0x3  }
0x37: {  	[smem:$0x3FB8] =	sst s10  }
0x38: {  	s10 =	sld [smem:$0x3FB9]  }
0x39: {  	_ = 	snop;
	(pc) =	sbr.ind lr, $3  }
0x3a: {  	_ = 	snop  }
0x3b: {  	_ = 	snop  }
0x3c: {  	p2 =	seq.s32 s10, $0x1;
	s10 =	sld [smem:$0x3FB8]  }
0x3d: {  	_ =	shalt  }
0x3e: {  	_ =	shalt  }
0x3f: {  	_ =	shalt  }
0x40: {  	_ =	shalt  }
0x41: {  	_ =	shalt  }
0x42: {  	_ =	shalt  }
0x43: {  	_ =	shalt  }
0x44: {  	_ =	shalt  }
0x45: {  	_ =	shalt  }
0x46: {  	_ =	shalt  }
0x47: {  	_ =	shalt  }
0x48: {  	_ =	shalt  }
0x49: {  	_ =	shalt  }
0x4a: {  	_ =	shalt  }
0x4b: {  	_ =	shalt  }
0x4c: {  	_ =	shalt  }
0x4d: {  	_ =	shalt  }
0x4e: {  	_ =	shalt  }
0x4f: {  	_ =	shalt  }
0x50: {  	_ =	shalt  }
0x51: {  	_ =	shalt  }
0x52: {  	_ =	shalt  }
0x53: {  	_ =	shalt  }
0x54: {  	_ =	shalt  }
0x55: {  	_ =	shalt  }
0x56: {  	_ =	shalt  }
0x57: {  	_ =	shalt  }
0x58: {  	_ =	shalt  }
0x59: {  	_ =	shalt  }
0x5a: {  	_ =	shalt  }
0x5b: {  	_ =	shalt  }
0x5c: {  	_ =	shalt  }
0x5d: {  	_ =	shalt  }
0x5e: {  	_ =	shalt  }
0x5f: {  	_ =	shalt  }
0x60: {  	_ =	shalt  }
0x61: {  	_ =	shalt  }
0x62: {  	_ =	shalt  }
0x63: {  	_ =	shalt  }
0x64: {  	_ =	shalt  }
0x65: {  	_ =	shalt  }
0x66: {  	_ =	shalt  }
0x67: {  	_ =	shalt  }
0x68: {  	_ =	shalt  }
0x69: {  	_ =	shalt  }
0x6a: {  	_ =	shalt  }
0x6b: {  	_ =	shalt  }
0x6c: {  	_ =	shalt  }
0x6d: {  	_ =	shalt  }
0x6e: {  	_ =	shalt  }
0x6f: {  	_ =	shalt  }
0x70: {  	_ =	shalt  }
0x71: {  	_ =	shalt  }
0x72: {  	_ =	shalt  }
0x73: {  	_ =	shalt  }
0x74: {  	_ =	shalt  }
0x75: {  	_ =	shalt  }
0x76: {  	_ =	shalt  }
0x77: {  	_ =	shalt  }
0x78: {  	_ =	shalt  }
0x79: {  	_ =	shalt  }
0x7a: {  	_ =	shalt  }
0x7b: {  	_ =	shalt  }
0x7c: {  	_ =	shalt  }
0x7d: {  	_ =	shalt  }
0x7e: {  	_ =	shalt  }
0x7f: {  	_ =	shalt  }
0x80: {  	_ =	shalt  }
0x81: {  	_ =	shalt  }
0x82: {  	_ =	shalt  }
0x83: {  	_ =	shalt  }
0x84: {  	_ =	shalt  }
0x85: {  	_ =	shalt  }
0x86: {  	_ =	shalt  }
0x87: {  	_ =	shalt  }
.Lfunc_end0:
.L_simem_size_0:
called_computation_lowered:
.L_overlay_start_0:
0x88: {  	s2 =	sld [smem:$0x3FD9]  }
0x89: {  	s3 =	sld [smem:$0x3FFE];
	_ =	sdelay $0x1  }
0x8a: {  	s1 =	srdreg.scid  }
0x8b: {  	s0 =	sand.u32 $0x1, s1  }
0x8c: {  	s16 =	sshll.u32 s0, $0xA;
	s2 =	sadd.s32 s3, s2  }
0x8d: {  	s2 =	sadd.s32 s2, s16  }
0x8e: {  	[smem:$0x3FC4] =	sst s2  }
0x8f: {  	_ = 	snop  }
0x90: {  	(tm) =	ssettm $0x1  }
0x91: {  	s17 =	sld [smem:$0x3FFB];
	_ =	sdelay $0x3  }
0x92: {  	_ =	strace s17  }
0x93: {  	s2 =	sld [smem:$0x3FFC];
	_ =	sdelay $0x3  }
0x94: {  	_ =	strace s2  }
0x95: {  	s2 =	sld [smem:$0x3FFD];
	_ =	sdelay $0x3  }
0x96: {  	_ =	strace s2  }
0x97: {  	_ =	strace $0x8FFFFFFF  }
0x98: {  	s18 =	sld [smem:$0x3FDB];
	_ =	sdelay $0x1  }
0x99: {  	s19 =	simm.s32 $_scs_section_size  }
0x9a: {  	s4 =	simm.s32 $_size__tile_overlayer_lowered;
	s5 =	simm.s32 $_tile_overlayer_lowered  }
0x9b: {  	s22 =	simm.s32 $0x1BFF;
	s21 =	sshll.u32 s5, $0x1;
	s2 =	sadd.s32 s19, s18  }
0x9c: {  	s6 =	simm.s32 $0x0;
	s20 =	sshll.u32 s4, $0x1;
	s4 =	sadd.s32 s21, s2  }
0x9d: {  	[timem:s6], [sflag:s22] =	dma.local [hbm:s4], s20  }
0x9e: {  	_ =	swait.ge [sflag:s22], s20  }
0x9f: {  	s3 =	ssub.s32 $0x0, s20;
	[sflag:s22] =	ssyncset.done $0x0  }
0xa0: {  	[sflag:s22] =	ssyncadd.s32 s3;
	_ =	sdelay $0x1  }
0xa1: {  	s23 =	simm.s32 $0x1B8B  }
0xa2: {  	_ =	swait.ge [sflag:s23], $0x1  }
0xa3: {  	[sflag:s23] =	ssyncset.done $0x0  }
0xa4: {  	s25 =	simm.s32 $0x1B8E;
	s24 =	sld [smem:$0x3FFE];
	[sflag:s23] =	ssyncadd.s32 $0xFFFFFFFF  }
0xa5: {  	s26 =	simm.s32 $execute0_lowered;
	[smem:$0x3FD2] =	sst s25  }
0xa6: {  	s4 =	sshll.u32 s26, $0x1;
	_ =	strace $0x80000046;
	[dreg:$0x1] =	wrdreg $0xFFFFFFFF  }
0xa7: {  	s28 =	simm.s32 $_size_execute0_lowered;
	s2 =	sadd.s32 s2, s4;
	[dreg:$0x0] =	wrdreg $0x0  }
0xa8: {  	s4 =	sshll.u32 s28, $0x1;
	[dreg:$0x2] =	wrdreg s2  }
0xa9: {  	[dreg:$0x3] =	wrdreg s4  }
0xaa: {  	[dreg:$0x4] =	wrdreg $0xC0  }
0xab: {  	_ =	task [dreg:s6], $0x5FFFF  }
0xac: {  	[dreg:$0x1] =	wrdreg $0xFFFFFFFF  }
0xad: {  	[dreg:$0x0] =	wrdreg $0x60  }
0xae: {  	[dreg:$0x2] =	wrdreg s24  }
0xaf: {  	[dreg:$0x3] =	wrdreg $0xEF800  }
0xb0: {  	[dreg:$0x4] =	wrdreg $0x9  }
0xb1: {  	_ =	task.clear_ibuf [dreg:s6], $0x5FFFF;
	_ =	strace $0x90000046  }
0xb2: {  	s29 =	simm.s32 $0x9;
	_ =	strace $0x80000048  }
0xb3: {  	_ =	swait.ge [sflag:s29], $0x1  }
0xb4: {  	[sflag:s29] =	ssyncadd.s32 $0xFFFFFFFF  }
0xb5: {  	_ =	strace $0x90000048  }
0xb6: {  	_ =	sfence  }
0xb7: {  	s30 =	sld [smem:$0x0];
	_ =	sdelay $0x2  }
0xb8: {  	s31 =	sshll.u32 s1, $0xD;
	s1 =	sshrl.u32 s1, $0x2  }
0xb9: {  	s3 =	sand.u32 $0x4000, s31;
	s1 =	sadd.s32 s1, s30  }
0xba: {  	s0 =	sor.u32 s3, s0;
	s1 =	sshll.u32 s1, $0x11  }
0xbb: {  	s0 =	sor.u32 s1, s0  }
0xbc: {  	s0 =	sadd.s32 $0x8F2B, s0  }
0xbd: {  	[sflag:s0] =	ssyncadd.remote.s32 $0x1  }
0xbe: {  	_ =	sfence.sel $0xFFFF  }
0xbf: {  	[dreg:$0x0] =	wrdreg $0xFFFFFFFF;
	(pc) =	sbr.abs _section_cstart, $3  }
0xc0: {  	[dreg:$0x1] =	wrdreg $0xFFFFFFFF  }
0xc1: {  	_ =	task.clear_ibuf [dreg:s6], $0x2FFFF;
	_ =	strace $0x9FFFFFFF  }
0xc2: {  	(tm) =	ssettm $0x7FFFFFFF  }
0xc3: {  	_ =	shalt  }
tec
execute0_lowered:
.L_overlay_start_1:
0x0: {  	(tag) =	ssettag $0x1  }
0x1: {  	s0 =	srdreg.scid;
	s5 =	rddreg [dreg:$0x0]  }
0x2: {  	s1 =	rddreg [dreg:$0x1];
	s13 =	stileid.u32  }
0x3: {  	s2 =	simm.s32 $0x0;
	s10 =	simm.s32 $0x2780;
	s11 =	simm.s32 $0x4F00  }
0x4: {  	s12 =	simm.s32 $0x7700;
	s14 =	simm.s32 $0xC700;
	s15 =	simm.s32 $0x9F00  }
0x5: {  	s16 =	simm.s32 $0x2;
	s17 =	simm.s32 $0x50;
	s18 =	simm.s32 $0xEF00  }
0x6: {  	s20 =	simm.s32 $0x0;
	s6 =	sand.u32 $0x1, s0;
	s0 =	rddreg [dreg:$0x2]  }
0x7: {  	[smem:$0x7FF] =	sst s2;
	s4 =	sadd.s32 $0x1200, s5;
	p0 =	sne.s32 s13, $0x0  }
0x8: {  	s3 =	sshll.u32 s6, $0x4;
	_ =	strace $0x80000047;
	s8 =	smul.u32 $0x500, s6  }
0x9: {  	s6 =	ssub.s32 $0x2, s6;
	s19 =	sshrl.u32 @!p0 s1, $0x3;
	s3 =	sor.u32 s13, s3  }
0xa: {  	s31 =	sshrl.u32 s6, $0x1;
	s13 =	simm.s32 $0x1;
	s7 =	smul.u32 $0x500, s3  }
0xb: {  	v0 =	vlaneseq.u32;
	s3 =	sadd.s32 $0xC00, s5;
	s8 =	sadd.s32 s8, s5;
	s9 =	ssub.s32 s6, s31  }
0xc: {  	v1 =	vimm.f32 $0.0e+00;
	v2 =	vor.u32 $0x10, v0;
	s8 =	sadd.s32 $0x1F800, s8;
	s9 =	smax.u32 s9, $0x1;
	s7 =	sadd.s32 s7, s5  }
0xd: {  	v3 =	vor.u32 $0x20, v0;
	v4 =	vor.u32 $0x30, v0;
	v5 =	vor.u32 $0x40, v0;
	s5 =	sadd.s32 $0x1800, s7;
	s6 =	sadd.s32 $0xB800, s7;
	s7 =	sadd.s32 $0x15800, s7  }
.LBB2_1:
0xe: {  	[tilespmem:s2], [sflag:$0x1] =	stream.linear.gather [hbm4b:s3+s2], $0x2780, $0x38;
	[tilespmem:$0xF200] =	vst v63  }
0xf: {  	_ = 	snop  }
0x10: {  	[tilespmem:s10], [sflag:$0x1] =	stream.linear.gather [hbm4b:s4+s2], $0x2780, $0x38;
	[tilespmem:$0xF200] =	vst v63  }
0x11: {  	_ = 	snop  }
0x12: {  	[tilespmem:s11], [sflag:$0x1] =	stream.linear.gather [hbm4b:s5+s2], $0x2800, $0x38;
	[tilespmem:$0xF200] =	vst v63  }
0x13: {  	s21 =	simm.s32 $0x0;
	s22 =	simm.s32 $0x200  }
0x14: {  	[tilespmem:s12], [sflag:$0x1] =	stream.linear.gather [hbm4b:s6+s2], $0x2800, $0x38;
	[tilespmem:$0xF200] =	vst v63  }
.LBB2_2:
0x15: {  	p1 =	sne.s32 s22, $0x9E00;
	[tilespmem:s21+$0xC770] =	vst v1  }
0x16: {  	[tilespmem:s21+$0xC700] =	vst v1  }
0x17: {  	[tilespmem:s21+$0xC710] =	vst v1  }
.Ltmp0:
0x18: {  	[tilespmem:s21+$0xC720] =	vst v1;
	(pc) =	sbr.rel @p1 .LBB2_2-.Ltmp0, $4  }
0x19: {  	[tilespmem:s21+$0xC730] =	vst v1  }
0x1a: {  	[tilespmem:s21+$0xC740] =	vst v1  }
0x1b: {  	[tilespmem:s21+$0xC750] =	vst v1  }
0x1c: {  	[tilespmem:s21+$0xC760] =	vst v1;
	s21 =	sshra.s32 s22, $0x2;
	s22 =	sadd.s32 $0x200, s22  }
0x1d: {  	[tilespmem:s21+$0xC770] =	vst v1  }
0x1e: {  	[tilespmem:s21+$0xC700] =	vst v1  }
0x1f: {  	[tilespmem:s21+$0xC710] =	vst v1  }
0x20: {  	[tilespmem:s21+$0xC720] =	vst v1  }
0x21: {  	[tilespmem:s21+$0xC730] =	vst v1  }
0x22: {  	[tilespmem:s21+$0xC740] =	vst v1  }
0x23: {  	[tilespmem:s21+$0xC750] =	vst v1  }
0x24: {  	[tilespmem:s21+$0xC760] =	vst v1  }
0x25: {  	[tilespmem:$0xEF00] =	vst v0  }
0x26: {  	[tilespmem:$0xEF10] =	vst v2  }
0x27: {  	[tilespmem:$0xEF20] =	vst v3  }
0x28: {  	[tilespmem:$0xEF30] =	vst v4  }
0x29: {  	s21 =	simm.s32 @!p0 $0xC700;
	[tilespmem:$0xEF40] =	vst v5  }
0x2a: {  	[spmem:s1] =	stream.linear.scatter @!p0 [tilespmem:s21], [sflag:$0x2], $0x2800, $0x38;
	[tilespmem:$0xF200] =	vst v63  }
0x2b: {  	s21 =	simm.s32 @!p0 $0x2  }
0x2c: {  	_ =	swait.ge @!p0 [sflag:s21], $0x2800  }
0x2d: {  	[sflag:s21] =	ssyncset.done @!p0 $0x0  }
0x2e: {  	[sflag:s21] =	ssyncadd.s32 @!p0 $0xFFFFD800  }
0x2f: {  	_ =	swait.ge [sflag:s13], $0x2780  }
0x30: {  	[sflag:s13] =	ssyncset.done $0x0  }
0x31: {  	[sflag:s13] =	ssyncadd.s32 $0xFFFFD880  }
0x32: {  	_ =	swait.ge [sflag:s13], $0x2780  }
0x33: {  	[sflag:s13] =	ssyncset.done $0x0  }
0x34: {  	[sflag:s13] =	ssyncadd.s32 $0xFFFFD880  }
0x35: {  	_ =	swait.ge [sflag:s13], $0x2800  }
0x36: {  	[sflag:s13] =	ssyncset.done $0x0  }
0x37: {  	[sflag:s13] =	ssyncadd.s32 $0xFFFFD800  }
0x38: {  	_ =	swait.ge [sflag:s13], $0x2800  }
0x39: {  	[sflag:s13] =	ssyncset.done $0x0  }
0x3a: {  	[sflag:s13] =	ssyncadd.s32 $0xFFFFD800  }
0x3b: {  	s21 =	simm.s32 $0x0;
	[bflag:$0x0] =	sbarrier.arrive $0xFFFF  }
.LBB2_4:
0x3c: {  	s22 =	sshra.s32 s21, $0x2  }
0x3d: {  	v6 =	vld [tilespmem:s22+$0x4F00]  }
0x3e: {  	v7 =	vld [tilespmem:s22+$0x7700];
	_ =	sdelay $0x6  }
0x3f: {  	v6 =	vld.idx.msk [tilespmem:v6+s2+$0x0], $0xffff  }
0x40: {  	v8 =	vld.idx.msk [tilespmem:v7+s10+$0x0], $0xffff;
	_ =	sdelay $0x4  }
0x41: {  	v6 =	vadd.f32 v8, v6;
	_ =	sdelay $0x1  }
0x42: {  	v8 =	vmul.f32 $9.999999770e-03, v6  }
0x43: {  	vm0 =	vge.f32 v6, $0.0e+00  }
0x44: {  	v6 =	vsel vm0, v6, v8  }
0x45: {  	v6 =	vmul.f32 $1.442695020e+00, v6;
	_ =	sdelay $0x1  }
0x46: {  	(erf) = vpow2.f32 v6;
	_ =	sdelay $0x8  }
0x47: {  	v6 =	vpop (erf)  }
0x48: {  	[tilespmem:s22+$0x9F00] =	vst v6  }
0x49: {  	[tilespmem:v7+s14+$0x0] =	vst.idx.add.f32.msk $0xffff, v6  }
0x4a: {  	v6 =	vld [tilespmem:s22+$0x4F10]  }
0x4b: {  	v7 =	vld [tilespmem:s22+$0x7710];
	_ =	sdelay $0x6  }
0x4c: {  	v6 =	vld.idx.msk [tilespmem:v6+s2+$0x0], $0xffff  }
0x4d: {  	v57 =	vld.idx.msk [tilespmem:v7+s10+$0x0], $0xffff;
	_ =	sdelay $0x4  }
0x4e: {  	v6 =	vadd.f32 v57, v6;
	_ =	sdelay $0x1  }
0x4f: {  	v8 =	vmul.f32 $9.999999770e-03, v6  }
0x50: {  	vm9 =	vge.f32 v6, $0.0e+00  }
0x51: {  	v6 =	vsel vm9, v6, v8  }
0x52: {  	v6 =	vmul.f32 $1.442695020e+00, v6;
	_ =	sdelay $0x1  }
0x53: {  	(erf) = vpow2.f32 v6;
	_ =	sdelay $0x8  }
0x54: {  	v6 =	vpop (erf)  }
0x55: {  	[tilespmem:s22+$0x9F10] =	vst v6  }
0x56: {  	[tilespmem:v7+s14+$0x0] =	vst.idx.add.f32.msk $0xffff, v6  }
0x57: {  	v6 =	vld [tilespmem:s22+$0x4F20]  }
0x58: {  	v7 =	vld [tilespmem:s22+$0x7720];
	_ =	sdelay $0x6  }
0x59: {  	v6 =	vld.idx.msk [tilespmem:v6+s2+$0x0], $0xffff  }
0x5a: {  	v58 =	vld.idx.msk [tilespmem:v7+s10+$0x0], $0xffff;
	_ =	sdelay $0x4  }
0x5b: {  	v6 =	vadd.f32 v58, v6;
	_ =	sdelay $0x1  }
0x5c: {  	v8 =	vmul.f32 $9.999999770e-03, v6  }
0x5d: {  	vm10 =	vge.f32 v6, $0.0e+00  }
0x5e: {  	v6 =	vsel vm10, v6, v8  }
0x5f: {  	v6 =	vmul.f32 $1.442695020e+00, v6;
	_ =	sdelay $0x1  }
0x60: {  	(erf) = vpow2.f32 v6;
	_ =	sdelay $0x8  }
0x61: {  	v6 =	vpop (erf)  }
0x62: {  	[tilespmem:s22+$0x9F20] =	vst v6  }
0x63: {  	[tilespmem:v7+s14+$0x0] =	vst.idx.add.f32.msk $0xffff, v6  }
0x64: {  	v6 =	vld [tilespmem:s22+$0x4F30]  }
0x65: {  	v7 =	vld [tilespmem:s22+$0x7730];
	_ =	sdelay $0x6  }
0x66: {  	v6 =	vld.idx.msk [tilespmem:v6+s2+$0x0], $0xffff  }
0x67: {  	v59 =	vld.idx.msk [tilespmem:v7+s10+$0x0], $0xffff;
	_ =	sdelay $0x4  }
0x68: {  	v6 =	vadd.f32 v59, v6;
	_ =	sdelay $0x1  }
0x69: {  	v8 =	vmul.f32 $9.999999770e-03, v6  }
0x6a: {  	vm11 =	vge.f32 v6, $0.0e+00  }
0x6b: {  	v6 =	vsel vm11, v6, v8  }
0x6c: {  	v6 =	vmul.f32 $1.442695020e+00, v6;
	_ =	sdelay $0x1  }
0x6d: {  	(erf) = vpow2.f32 v6;
	_ =	sdelay $0x8  }
0x6e: {  	v6 =	vpop (erf)  }
0x6f: {  	[tilespmem:s22+$0x9F30] =	vst v6  }
0x70: {  	[tilespmem:v7+s14+$0x0] =	vst.idx.add.f32.msk $0xffff, v6  }
0x71: {  	v6 =	vld [tilespmem:s22+$0x4F40]  }
0x72: {  	v7 =	vld [tilespmem:s22+$0x7740];
	_ =	sdelay $0x6  }
0x73: {  	v6 =	vld.idx.msk [tilespmem:v6+s2+$0x0], $0xffff  }
0x74: {  	v60 =	vld.idx.msk [tilespmem:v7+s10+$0x0], $0xffff;
	_ =	sdelay $0x4  }
0x75: {  	v6 =	vadd.f32 v60, v6;
	_ =	sdelay $0x1  }
0x76: {  	v8 =	vmul.f32 $9.999999770e-03, v6  }
0x77: {  	vm12 =	vge.f32 v6, $0.0e+00  }
0x78: {  	v6 =	vsel vm12, v6, v8  }
0x79: {  	v6 =	vmul.f32 $1.442695020e+00, v6;
	_ =	sdelay $0x1  }
0x7a: {  	(erf) = vpow2.f32 v6;
	_ =	sdelay $0x8  }
0x7b: {  	v6 =	vpop (erf)  }
0x7c: {  	[tilespmem:s22+$0x9F40] =	vst v6  }
0x7d: {  	[tilespmem:v7+s14+$0x0] =	vst.idx.add.f32.msk $0xffff, v6  }
0x7e: {  	v6 =	vld [tilespmem:s22+$0x4F50]  }
0x7f: {  	v7 =	vld [tilespmem:s22+$0x7750];
	_ =	sdelay $0x6  }
0x80: {  	v6 =	vld.idx.msk [tilespmem:v6+s2+$0x0], $0xffff  }
0x81: {  	v61 =	vld.idx.msk [tilespmem:v7+s10+$0x0], $0xffff;
	_ =	sdelay $0x4  }
0x82: {  	v6 =	vadd.f32 v61, v6;
	_ =	sdelay $0x1  }
0x83: {  	v8 =	vmul.f32 $9.999999770e-03, v6  }
0x84: {  	vm13 =	vge.f32 v6, $0.0e+00  }
0x85: {  	v6 =	vsel vm13, v6, v8  }
0x86: {  	v6 =	vmul.f32 $1.442695020e+00, v6;
	_ =	sdelay $0x1  }
0x87: {  	(erf) = vpow2.f32 v6;
	_ =	sdelay $0x8  }
0x88: {  	v6 =	vpop (erf)  }
0x89: {  	[tilespmem:s22+$0x9F50] =	vst v6  }
0x8a: {  	[tilespmem:v7+s14+$0x0] =	vst.idx.add.f32.msk $0xffff, v6  }
0x8b: {  	v6 =	vld [tilespmem:s22+$0x4F60]  }
0x8c: {  	v7 =	vld [tilespmem:s22+$0x7760];
	_ =	sdelay $0x6  }
0x8d: {  	v6 =	vld.idx.msk [tilespmem:v6+s2+$0x0], $0xffff  }
0x8e: {  	v62 =	vld.idx.msk [tilespmem:v7+s10+$0x0], $0xffff;
	_ =	sdelay $0x4  }
0x8f: {  	v6 =	vadd.f32 v62, v6;
	_ =	sdelay $0x1  }
0x90: {  	v8 =	vmul.f32 $9.999999770e-03, v6  }
0x91: {  	vm14 =	vge.f32 v6, $0.0e+00  }
0x92: {  	v6 =	vsel vm14, v6, v8  }
0x93: {  	v6 =	vmul.f32 $1.442695020e+00, v6;
	_ =	sdelay $0x1  }
0x94: {  	(erf) = vpow2.f32 v6;
	_ =	sdelay $0x8  }
0x95: {  	v6 =	vpop (erf)  }
0x96: {  	[tilespmem:s22+$0x9F60] =	vst v6  }
0x97: {  	[tilespmem:v7+s14+$0x0] =	vst.idx.add.f32.msk $0xffff, v6  }
0x98: {  	v6 =	vld [tilespmem:s22+$0x4F70]  }
0x99: {  	v7 =	vld [tilespmem:s22+$0x7770];
	_ =	sdelay $0x6  }
0x9a: {  	v6 =	vld.idx.msk [tilespmem:v6+s2+$0x0], $0xffff  }
0x9b: {  	v63 =	vld.idx.msk [tilespmem:v7+s10+$0x0], $0xffff;
	_ =	sdelay $0x4  }
0x9c: {  	v6 =	vadd.f32 v63, v6;
	_ =	sdelay $0x1  }
0x9d: {  	v8 =	vmul.f32 $9.999999770e-03, v6  }
0x9e: {  	vm15 =	vge.f32 v6, $0.0e+00  }
0x9f: {  	v6 =	vsel vm15, v6, v8  }
0xa0: {  	v6 =	vmul.f32 $1.442695020e+00, v6;
	_ =	sdelay $0x1  }
0xa1: {  	(erf) = vpow2.f32 v6;
	_ =	sdelay $0x5  }
0xa2: {  	p1 =	sne.s32 s21, $0x9E00  }
.Ltmp1:
0xa3: {  	_ = 	snop;
	(pc) =	sbr.rel @p1 .LBB2_4-.Ltmp1, $4  }
0xa4: {  	_ = 	snop  }
0xa5: {  	v6 =	vpop (erf)  }
0xa6: {  	[tilespmem:s22+$0x9F70] =	vst v6  }
0xa7: {  	s21 =	sadd.s32 $0x200, s21;
	[tilespmem:v7+s14+$0x0] =	vst.idx.add.f32.msk $0xffff, v6  }
0xa8: {  	[hbm4b:s7+s2] =	stream.linear.scatter [tilespmem:s15], [sflag:$0x2], $0x2800, $0x38;
	[tilespmem:$0xF200] =	vst v63  }
0xa9: {  	_ =	swait.ge [sflag:s16], $0x2800  }
0xaa: {  	[sflag:s16] =	ssyncset.done $0x0  }
0xab: {  	[sflag:s16] =	ssyncadd.s32 $0xFFFFD800  }
0xac: {  	[spmem:s1] =	stream.indirect.scatter.add.f32 [tilespmem:s14], [sflag:$0x2], $0x80, s18, s17, $0xb8;
	[tilespmem:$0xF200] =	vst v63  }
0xad: {  	_ =	swait.ge [sflag:s16], $0x2800  }
0xae: {  	[sflag:s16] =	ssyncset.done $0x0  }
0xaf: {  	s20 =	sadd.s32 $0x1, s20;
	[sflag:s16] =	ssyncadd.s32 $0xFFFFD800  }
0xb0: {  	s21 =	simm.s32 @!p0 $0x1C02;
	p1 =	sne.s32 s20, s9;
	[bflag:$0x0] =	sbarrier.arrive $0xFFFF  }
0xb1: {  	[hbm:s8], [sflag:s21] =	dma.local @!p0 [spmem:s19], $0x500  }
.Ltmp2:
0xb2: {  	_ = 	snop;
	(pc) =	sbr.rel @p1 .LBB2_1-.Ltmp2, $4  }
0xb3: {  	s21 =	simm.s32 @!p0 $0x2  }
0xb4: {  	_ =	swait.ge @!p0 [sflag:s21], $0x500  }
0xb5: {  	[sflag:s21] =	ssyncset.done @!p0 $0x0  }
0xb6: {  	[sflag:s21] =	ssyncadd.s32 @!p0 $0xFFFFFB00  }
0xb7: {  	_ =	sfence.sel $0x180000  }
0xb8: {  	[bflag:$0x0] =	sbarrier.arrive $0xFFFF  }
0xb9: {  	_ =	strace $0x90000047  }
0xba: {  	s0 =	sadd.s32 @!p0 $0x100000, s0;
	[bflag:$0x2] =	sbarrier.arrive $0xFFFF  }
0xbb: {  	[sflag:s0] =	ssyncadd.tile.s32 @!p0 $0x1;
	_ =	shalt  }
.Lfunc_end2:
_tile_overlayer_lowered:
.L_overlay_start_2:
0xbc: {  	(tag) =	ssettag $0x2  }
0xbd: {  	s0 =	rddreg [dreg:$0x0];
	s2 =	stileid.u32  }
0xbe: {  	s1 =	rddreg [dreg:$0x1];
	p0 =	sne.s32 s2, $0x0  }
0xbf: {  	s3 =	rddreg [dreg:$0x2];
	[bflag:$0x3] =	sbarrier.arrive $0xFFFF;
	s2 =	simm.s32 @!p0 $0x1C02  }
0xc0: {  	[timem:s3], [sflag:s2] =	dma.local @!p0 [hbm:s0], s1  }
0xc1: {  	s0 =	simm.s32 @!p0 $0x2  }
0xc2: {  	_ =	swait.ge @!p0 [sflag:s0], s1  }
0xc3: {  	s1 =	ssub.s32 @!p0 $0x0, s1;
	[sflag:s0] =	ssyncset.done @!p0 $0x0  }
0xc4: {  	[sflag:s0] =	ssyncadd.s32 @!p0 s1  }
0xc5: {  	[bflag:$0x3] =	sbarrier.arrive $0xFFFF  }
0xc6: {  	_ =	shalt  }

// kernel: kernel.9.cloned.1.call-start
scs
__scs_entry_jumppad:
0x0: {  	(pc) =	sbr.rel $0x88, $3  }
0x1: {  	(tag) =	ssettag $0x0;
	lr =	simm.s32 $0x1  }
0x2: {  	[smem:$0x3F9D] =	sst lr;
	_ =	strace $0xD0000000  }
0x3: {  	_ = 	snop  }
0x4: {  	_ = 	snop  }
0x5: {  	_ = 	snop  }
0x6: {  	_ = 	snop  }
0x7: {  	_ = 	snop  }
__scs_overlays_trampoline_lowered:
0x8: {  	[smem:$0x3FAC] =	sst s0  }
0x9: {  	[smem:$0x3FAD] =	sst s1  }
0xa: {  	[smem:$0x3FAE] =	sst s2  }
0xb: {  	[smem:$0x3FAF] =	sst s3  }
0xc: {  	[smem:$0x3FB0] =	sst s4  }
0xd: {  	[smem:$0x3FB1] =	sst s5  }
0xe: {  	[smem:$0x3FB2] =	sst s6  }
0xf: {  	[smem:$0x3FB3] =	sst s7  }
0x10: {  	[smem:$0x3FB4] =	sst s8  }
0x11: {  	[smem:$0x3FB5] =	sst s9;
	s0 =	simm.s32 @!p0 $0x0  }
0x12: {  	s1 =	sld [smem:$0x3F9B];
	s0 =	simm.s32 @p0 $0x1  }
0x13: {  	[smem:$0x3FB6] =	sst s0;
	s0 =	simm.s32 @!p1 $0x0  }
0x14: {  	s2 =	sld [smem:$0x3F9A];
	s0 =	simm.s32 @p1 $0x1  }
0x15: {  	[smem:$0x3FB7] =	sst s0;
	s0 =	simm.s32 @!p2 $0x0  }
0x16: {  	s3 =	sld [smem:$0x3FDB];
	s0 =	simm.s32 @p2 $0x1  }
0x17: {  	s4 =	simm.s32 $0x1BF5;
	[smem:$0x3FB9] =	sst s0  }
0x18: {  	s0 =	sld [smem:$0x3F9C];
	_ =	swait.ge [sflag:s4], $0x0  }
0x19: {  	s7 =	sld [smem:$0x3F9D]  }
0x1a: {  	s8 =	sadd.s32 $0xFFFFE003, lr  }
0x1b: {  	s9 =	sadd.s32 $0xFFFFFEF7, lr;
	s5 =	simm.s32 $0xFFFFFFFF;
	p2 =	slt.u32 s8, $0xFFFFF086  }
0x1c: {  	p1 =	slt.u32 s9, $0xF7A;
	s5 =	simm.s32 @!p2 $0x0  }
0x1d: {  	s5 =	simm.s32 @p1 $0x1;
	p0 =	seq.s32 s7, s2  }
0x1e: {  	s7 =	smul.u32 @!p0 $0xF7A, s2;
	p2 =	seq.s32 @!p0 s5, $0x0  }
0x1f: {  	s9 =	smul.u32 $0xF7A, s1;
	s8 =	simm.s32 @!p0 $0x1BF5;
	p2 =	por !p2, p0  }
0x20: {  	[sflag:s8] =	ssyncset.s32 @!p0 $0xFFFFF086;
	s6 =	sadd.s32 @!p0 s3, s7;
	s7 =	simm.s32 @!p0 $0x108  }
0x21: {  	s3 =	sadd.s32 s3, s9;
	s6 =	sadd.s32 @!p0 $0x88, s6;
	s7 =	simm.s32 @p2 $0x1082  }
0x22: {  	[simem:s7], [sflag:s8] =	dma.local @!p0 [hbm:s6], $0xF7A  }
0x23: {  	s9 =	sor.u32 $0xD0000000, s2;
	s6 =	simm.s32 $0x108;
	_ =	swait.ge @!p0 [sflag:s8], $0x0  }
0x24: {  	s3 =	sadd.s32 $0x88, s3;
	s6 =	simm.s32 @!p1 $0x1082;
	[sflag:s4] =	ssyncset.s32 $0xFFFFF086  }
0x25: {  	[simem:s6], [sflag:s4] =	dma.local [hbm:s3], $0xF7A  }
0x26: {  	[smem:$0x3F9D] =	sst s1;
	(tag) =	ssettag s2;
	_ =	strace s9  }
0x27: {  	s1 =	sld [smem:$0x3FAD]  }
0x28: {  	s2 =	sld [smem:$0x3FAE]  }
0x29: {  	s4 =	sld [smem:$0x3FB0]  }
0x2a: {  	p0 =	seq.s32 s5, $0x0;
	s5 =	sld [smem:$0x3FB1]  }
0x2b: {  	s6 =	sld [smem:$0x3FB2]  }
0x2c: {  	s7 =	sld [smem:$0x3FB3]  }
0x2d: {  	s3 =	simm.s32 $0x108;
	s8 =	sld [smem:$0x3FB4]  }
0x2e: {  	s3 =	simm.s32 @!p0 $0x1082;
	s9 =	sld [smem:$0x3FB5]  }
0x2f: {  	lr =	sadd.s32 s0, s3;
	s0 =	sld [smem:$0x3FAC]  }
0x30: {  	s3 =	sld [smem:$0x3FAF]  }
0x31: {  	[smem:$0x3FB8] =	sst s10  }
0x32: {  	s10 =	sld [smem:$0x3FB6];
	_ =	sdelay $0x3  }
0x33: {  	p0 =	seq.s32 s10, $0x1;
	s10 =	sld [smem:$0x3FB8];
	_ =	sdelay $0x3  }
0x34: {  	[smem:$0x3FB8] =	sst s10  }
0x35: {  	s10 =	sld [smem:$0x3FB7];
	_ =	sdelay $0x3  }
0x36: {  	p1 =	seq.s32 s10, $0x1;
	s10 =	sld [smem:$0x3FB8];
	_ =	sdelay $0x3  }
0x37: {  	[smem:$0x3FB8] =	sst s10  }
0x38: {  	s10 =	sld [smem:$0x3FB9]  }
0x39: {  	_ = 	snop;
	(pc) =	sbr.ind lr, $3  }
0x3a: {  	_ = 	snop  }
0x3b: {  	_ = 	snop  }
0x3c: {  	p2 =	seq.s32 s10, $0x1;
	s10 =	sld [smem:$0x3FB8]  }
0x3d: {  	_ =	shalt  }
0x3e: {  	_ =	shalt  }
0x3f: {  	_ =	shalt  }
0x40: {  	_ =	shalt  }
0x41: {  	_ =	shalt  }
0x42: {  	_ =	shalt  }
0x43: {  	_ =	shalt  }
0x44: {  	_ =	shalt  }
0x45: {  	_ =	shalt  }
0x46: {  	_ =	shalt  }
0x47: {  	_ =	shalt  }
0x48: {  	_ =	shalt  }
0x49: {  	_ =	shalt  }
0x4a: {  	_ =	shalt  }
0x4b: {  	_ =	shalt  }
0x4c: {  	_ =	shalt  }
0x4d: {  	_ =	shalt  }
0x4e: {  	_ =	shalt  }
0x4f: {  	_ =	shalt  }
0x50: {  	_ =	shalt  }
0x51: {  	_ =	shalt  }
0x52: {  	_ =	shalt  }
0x53: {  	_ =	shalt  }
0x54: {  	_ =	shalt  }
0x55: {  	_ =	shalt  }
0x56: {  	_ =	shalt  }
0x57: {  	_ =	shalt  }
0x58: {  	_ =	shalt  }
0x59: {  	_ =	shalt  }
0x5a: {  	_ =	shalt  }
0x5b: {  	_ =	shalt  }
0x5c: {  	_ =	shalt  }
0x5d: {  	_ =	shalt  }
0x5e: {  	_ =	shalt  }
0x5f: {  	_ =	shalt  }
0x60: {  	_ =	shalt  }
0x61: {  	_ =	shalt  }
0x62: {  	_ =	shalt  }
0x63: {  	_ =	shalt  }
0x64: {  	_ =	shalt  }
0x65: {  	_ =	shalt  }
0x66: {  	_ =	shalt  }
0x67: {  	_ =	shalt  }
0x68: {  	_ =	shalt  }
0x69: {  	_ =	shalt  }
0x6a: {  	_ =	shalt  }
0x6b: {  	_ =	shalt  }
0x6c: {  	_ =	shalt  }
0x6d: {  	_ =	shalt  }
0x6e: {  	_ =	shalt  }
0x6f: {  	_ =	shalt  }
0x70: {  	_ =	shalt  }
0x71: {  	_ =	shalt  }
0x72: {  	_ =	shalt  }
0x73: {  	_ =	shalt  }
0x74: {  	_ =	shalt  }
0x75: {  	_ =	shalt  }
0x76: {  	_ =	shalt  }
0x77: {  	_ =	shalt  }
0x78: {  	_ =	shalt  }
0x79: {  	_ =	shalt  }
0x7a: {  	_ =	shalt  }
0x7b: {  	_ =	shalt  }
0x7c: {  	_ =	shalt  }
0x7d: {  	_ =	shalt  }
0x7e: {  	_ =	shalt  }
0x7f: {  	_ =	shalt  }
0x80: {  	_ =	shalt  }
0x81: {  	_ =	shalt  }
0x82: {  	_ =	shalt  }
0x83: {  	_ =	shalt  }
0x84: {  	_ =	shalt  }
0x85: {  	_ =	shalt  }
0x86: {  	_ =	shalt  }
0x87: {  	_ =	shalt  }
.Lfunc_end0:
.L_simem_size_0:
called_computation.1_lowered:
.L_overlay_start_0:
0x88: {  	s2 =	sld [smem:$0x3FD9]  }
0x89: {  	s3 =	sld [smem:$0x3FFE];
	_ =	sdelay $0x1  }
0x8a: {  	s1 =	srdreg.scid  }
0x8b: {  	s0 =	sand.u32 $0x1, s1  }
0x8c: {  	s16 =	sshll.u32 s0, $0xA;
	s2 =	sadd.s32 s3, s2  }
0x8d: {  	s2 =	sadd.s32 s2, s16  }
0x8e: {  	[smem:$0x3FC4] =	sst s2  }
0x8f: {  	_ = 	snop  }
0x90: {  	(tm) =	ssettm $0x1  }
0x91: {  	s17 =	sld [smem:$0x3FFB];
	_ =	sdelay $0x3  }
0x92: {  	_ =	strace s17  }
0x93: {  	s2 =	sld [smem:$0x3FFC];
	_ =	sdelay $0x3  }
0x94: {  	_ =	strace s2  }
0x95: {  	s2 =	sld [smem:$0x3FFD];
	_ =	sdelay $0x3  }
0x96: {  	_ =	strace s2  }
0x97: {  	_ =	strace $0x8FFFFFFF  }
0x98: {  	s18 =	sld [smem:$0x3FDB];
	_ =	sdelay $0x1  }
0x99: {  	s19 =	simm.s32 $_scs_section_size  }
0x9a: {  	s4 =	simm.s32 $_size__tile_overlayer_lowered;
	s5 =	simm.s32 $_tile_overlayer_lowered  }
0x9b: {  	s22 =	simm.s32 $0x1BFF;
	s21 =	sshll.u32 s5, $0x1;
	s2 =	sadd.s32 s19, s18  }
0x9c: {  	s6 =	simm.s32 $0x0;
	s20 =	sshll.u32 s4, $0x1;
	s4 =	sadd.s32 s21, s2  }
0x9d: {  	[timem:s6], [sflag:s22] =	dma.local [hbm:s4], s20  }
0x9e: {  	_ =	swait.ge [sflag:s22], s20  }
0x9f: {  	s3 =	ssub.s32 $0x0, s20;
	[sflag:s22] =	ssyncset.done $0x0  }
0xa0: {  	[sflag:s22] =	ssyncadd.s32 s3;
	_ =	sdelay $0x1  }
0xa1: {  	s23 =	simm.s32 $0x1B8B  }
0xa2: {  	_ =	swait.ge [sflag:s23], $0x1  }
0xa3: {  	[sflag:s23] =	ssyncset.done $0x0  }
0xa4: {  	s25 =	simm.s32 $0x1B8E;
	s24 =	sld [smem:$0x3FFE];
	[sflag:s23] =	ssyncadd.s32 $0xFFFFFFFF  }
0xa5: {  	s26 =	simm.s32 $execute0_lowered;
	[smem:$0x3FD2] =	sst s25  }
0xa6: {  	s4 =	sshll.u32 s26, $0x1;
	_ =	strace $0x80000049;
	[dreg:$0x1] =	wrdreg $0xFFFFFFFF  }
0xa7: {  	s28 =	simm.s32 $_size_execute0_lowered;
	s2 =	sadd.s32 s2, s4;
	[dreg:$0x0] =	wrdreg $0x0  }
0xa8: {  	s4 =	sshll.u32 s28, $0x1;
	[dreg:$0x2] =	wrdreg s2  }
0xa9: {  	[dreg:$0x3] =	wrdreg s4  }
0xaa: {  	[dreg:$0x4] =	wrdreg $0xC0  }
0xab: {  	_ =	task [dreg:s6], $0x5FFFF  }
0xac: {  	[dreg:$0x1] =	wrdreg $0xFFFFFFFF  }
0xad: {  	[dreg:$0x0] =	wrdreg $0x60  }
0xae: {  	[dreg:$0x2] =	wrdreg s24  }
0xaf: {  	[dreg:$0x3] =	wrdreg $0x2B000  }
0xb0: {  	[dreg:$0x4] =	wrdreg $0x9  }
0xb1: {  	_ =	task.clear_ibuf [dreg:s6], $0x5FFFF;
	_ =	strace $0x90000049  }
0xb2: {  	s29 =	simm.s32 $0x9;
	_ =	strace $0x8000004B  }
0xb3: {  	_ =	swait.ge [sflag:s29], $0x1  }
0xb4: {  	[sflag:s29] =	ssyncadd.s32 $0xFFFFFFFF  }
0xb5: {  	_ =	strace $0x9000004B  }
0xb6: {  	_ =	sfence  }
0xb7: {  	s30 =	sld [smem:$0x0];
	_ =	sdelay $0x2  }
0xb8: {  	s31 =	sshll.u32 s1, $0xD;
	s1 =	sshrl.u32 s1, $0x2  }
0xb9: {  	s3 =	sand.u32 $0x4000, s31;
	s1 =	sadd.s32 s1, s30  }
0xba: {  	s0 =	sor.u32 s3, s0;
	s1 =	sshll.u32 s1, $0x11  }
0xbb: {  	s0 =	sor.u32 s1, s0  }
0xbc: {  	s0 =	sadd.s32 $0x8F2B, s0  }
0xbd: {  	[sflag:s0] =	ssyncadd.remote.s32 $0x1  }
0xbe: {  	_ =	sfence.sel $0xFFFF  }
0xbf: {  	[dreg:$0x0] =	wrdreg $0xFFFFFFFF;
	(pc) =	sbr.abs _section_cstart, $3  }
0xc0: {  	[dreg:$0x1] =	wrdreg $0xFFFFFFFF  }
0xc1: {  	_ =	task.clear_ibuf [dreg:s6], $0x2FFFF;
	_ =	strace $0x9FFFFFFF  }
0xc2: {  	(tm) =	ssettm $0x7FFFFFFF  }
0xc3: {  	_ =	shalt  }
tec
execute0_lowered:
.L_overlay_start_1:
0x0: {  	(tag) =	ssettag $0x1  }
0x1: {  	s0 =	rddreg [dreg:$0x0];
	s1 =	srdreg.scid  }
0x2: {  	s7 =	rddreg [dreg:$0x1];
	s11 =	stileid.u32  }
0x3: {  	s2 =	simm.s32 $0x0;
	s28 =	simm.s32 $0x200;
	s29 =	simm.s32 $0x7  }
0x4: {  	s30 =	simm.s32 $0x3;
	s1 =	sand.u32 $0x1, s1;
	s5 =	smul.u32 $0x14000, s11  }
0x5: {  	s31 =	simm.s32 $0x2A00;
	[smem:$0x7FF] =	sst s2;
	s4 =	smul.u32 $0x140000, s1  }
0x6: {  	s14 =	sshll.u32 s11, $0xE;
	s15 =	smul.u32 $0x50000, s11;
	_ =	strace $0x8000004A  }
0x7: {  	s9 =	ssub.s32 $0x2, s1;
	s1 =	sshll.u32 s1, $0x12;
	s6 =	sadd.s32 s5, s4  }
0x8: {  	s10 =	sshrl.u32 s9, $0x1;
	s8 =	sshrl.u32 s6, $0x3;
	s6 =	sor.u32 s14, s1  }
0x9: {  	s4 =	sadd.s32 $0x30200, s0;
	s5 =	sadd.s32 $0x20200, s0;
	s16 =	sshrl.u32 s6, $0x3  }
0xa: {  	s9 =	ssub.s32 s9, s10;
	s1 =	sshrl.u32 s15, $0x2;
	s17 =	sadd.s32 s4, s16  }
0xb: {  	s10 =	sadd.s32 s1, s7;
	s19 =	sadd.s32 s5, s16;
	[dreg:$0x3] =	wrdreg s17  }
0xc: {  	s3 =	sadd.s32 $0xC00, s0;
	s21 =	sadd.s32 $0x2800, s10;
	[dreg:$0x5] =	wrdreg s19  }
0xd: {  	s11 =	simm.s32 $0x0;
	s22 =	sadd.s32 $0x5000, s10;
	[dreg:$0x7] =	wrdreg s21  }
0xe: {  	s8 =	sadd.s32 s8, s0;
	s23 =	sadd.s32 $0x7800, s10;
	[dreg:$0x8] =	wrdreg s22  }
0xf: {  	s1 =	simm.s32 $0x2A80;
	s24 =	sadd.s32 $0xA000, s10;
	[dreg:$0x9] =	wrdreg s23  }
0x10: {  	s7 =	simm.s32 $0x5;
	s25 =	sadd.s32 $0xC800, s10;
	[dreg:$0xa] =	wrdreg s24  }
0x11: {  	s12 =	sor.u32 $0x10, s16;
	s26 =	sadd.s32 $0xF000, s10;
	[dreg:$0xb] =	wrdreg s25  }
0x12: {  	s18 =	sadd.s32 s4, s12;
	s20 =	sadd.s32 s5, s12;
	[dreg:$0xc] =	wrdreg s26  }
.Ltmp0:
0x13: {  	s19 =	sadd.s32 s3, s16;
	s21 =	sadd.s32 $0x20210, s0;
	(pc) =	sbr.rel .LBB2_1-.Ltmp0, $4  }
0x14: {  	s22 =	sadd.s32 $0x40200, s8;
	s23 =	smax.u32 s9, $0x1;
	s24 =	simm.s32 $0x80  }
0x15: {  	s26 =	simm.s32 $0x180;
	s0 =	simm.s32 $0x4;
	s25 =	simm.s32 $0x1  }
0x16: {  	s8 =	simm.s32 $0x2;
	s9 =	simm.s32 $0x6;
	[dreg:$0x4] =	wrdreg s18  }
0x17: {  	v0 =	vimm.f32 $0.0e+00;
	[dreg:$0x6] =	wrdreg s20;
	s18 =	sadd.s32 $0x11800, s10;
	s20 =	sadd.s32 s3, s12  }
.LBB2_10:
0x18: {  	_ =	swait.ge [sflag:s9], $0x80;
	s12 =	stileid.u32  }
0x19: {  	s13 =	sshrl.u32 s10, $0x3;
	s11 =	sadd.s32 $0x1, s11;
	[sflag:s9] =	ssyncset.done $0x0  }
0x1a: {  	s12 =	sshll.u32 s12, $0x6;
	p0 =	sne.s32 s11, s23;
	[sflag:s9] =	ssyncadd.s32 $0xFFFFFF80  }
.Ltmp1:
0x1b: {  	s12 =	sor.u32 $0x1C07, s12;
	[bflag:$0x0] =	sbarrier.arrive $0xFFFF;
	(pc) =	sbr.rel @!p0 .LBB2_11-.Ltmp1, $4  }
0x1c: {  	[hbm:s22], [sflag:s12] =	dma.local [spmem:s13], $0x2800  }
0x1d: {  	_ =	swait.ge [sflag:s29], $0x2800  }
0x1e: {  	[sflag:s29] =	ssyncset.done $0x0  }
0x1f: {  	[sflag:s29] =	ssyncadd.s32 $0xFFFFD800  }
.LBB2_1:
0x20: {  	s12 =	rddreg [dreg:$0x3]  }
0x21: {  	[tilespmem:s2], [sflag:$0x3] =	stream.linear.gather [hbm4b:s12+s2], $0x80, $0x38;
	[tilespmem:$0x16B00] =	vst v63  }
0x22: {  	s15 =	rddreg [dreg:$0x4]  }
0x23: {  	[tilespmem:s24], [sflag:$0x4] =	stream.linear.gather [hbm4b:s15+s2], $0x80, $0x38;
	[tilespmem:$0x16B00] =	vst v63  }
0x24: {  	s16 =	rddreg [dreg:$0x5];
	s13 =	simm.s32 $0x100  }
0x25: {  	[tilespmem:s13], [sflag:$0x5] =	stream.linear.gather [hbm4b:s16+s2], $0x80, $0x38;
	[tilespmem:$0x16B00] =	vst v63  }
0x26: {  	s17 =	rddreg [dreg:$0x6];
	s12 =	simm.s32 $0x0;
	s13 =	simm.s32 $0x200  }
0x27: {  	[tilespmem:s26], [sflag:$0x6] =	stream.linear.gather [hbm4b:s17+s2], $0x80, $0x38;
	[tilespmem:$0x16B00] =	vst v63  }
.LBB2_2:
0x28: {  	p0 =	sne.s32 s13, $0x9E00;
	[tilespmem:s12+$0x270] =	vst v0  }
0x29: {  	[tilespmem:s12+$0x200] =	vst v0  }
0x2a: {  	[tilespmem:s12+$0x210] =	vst v0  }
.Ltmp2:
0x2b: {  	[tilespmem:s12+$0x220] =	vst v0;
	(pc) =	sbr.rel @p0 .LBB2_2-.Ltmp2, $4  }
0x2c: {  	[tilespmem:s12+$0x230] =	vst v0  }
0x2d: {  	[tilespmem:s12+$0x240] =	vst v0  }
0x2e: {  	[tilespmem:s12+$0x250] =	vst v0  }
0x2f: {  	[tilespmem:s12+$0x260] =	vst v0;
	s12 =	sshra.s32 s13, $0x2;
	s13 =	sadd.s32 $0x200, s13  }
0x30: {  	[tilespmem:s12+$0x270] =	vst v0  }
0x31: {  	[tilespmem:s12+$0x200] =	vst v0  }
0x32: {  	[tilespmem:s12+$0x210] =	vst v0  }
0x33: {  	[tilespmem:s12+$0x220] =	vst v0  }
0x34: {  	[tilespmem:s12+$0x230] =	vst v0  }
0x35: {  	[tilespmem:s12+$0x240] =	vst v0  }
0x36: {  	[tilespmem:s12+$0x250] =	vst v0  }
0x37: {  	[tilespmem:s12+$0x260] =	vst v0  }
0x38: {  	[spmem:s10] =	stream.linear.scatter [tilespmem:s28], [sflag:$0x7], $0x2800, $0x38;
	[tilespmem:$0x16B00] =	vst v63  }
0x39: {  	_ =	swait.ge [sflag:s29], $0x2800  }
0x3a: {  	[sflag:s29] =	ssyncset.done $0x0  }
0x3b: {  	s17 =	rddreg [dreg:$0x7];
	[sflag:s29] =	ssyncadd.s32 $0xFFFFD800  }
0x3c: {  	[spmem:s17] =	stream.linear.scatter [tilespmem:s28], [sflag:$0x7], $0x2800, $0x38;
	[tilespmem:$0x16B00] =	vst v63  }
0x3d: {  	_ =	swait.ge [sflag:s29], $0x2800  }
0x3e: {  	[sflag:s29] =	ssyncset.done $0x0  }
0x3f: {  	s13 =	rddreg [dreg:$0x8];
	[sflag:s29] =	ssyncadd.s32 $0xFFFFD800  }
0x40: {  	[spmem:s13] =	stream.linear.scatter [tilespmem:s28], [sflag:$0x7], $0x2800, $0x38;
	[tilespmem:$0x16B00] =	vst v63  }
0x41: {  	_ =	swait.ge [sflag:s29], $0x2800  }
0x42: {  	[sflag:s29] =	ssyncset.done $0x0  }
0x43: {  	s14 =	rddreg [dreg:$0x9];
	[sflag:s29] =	ssyncadd.s32 $0xFFFFD800  }
0x44: {  	[spmem:s14] =	stream.linear.scatter [tilespmem:s28], [sflag:$0x7], $0x2800, $0x38;
	[tilespmem:$0x16B00] =	vst v63  }
0x45: {  	_ =	swait.ge [sflag:s29], $0x2800  }
0x46: {  	[sflag:s29] =	ssyncset.done $0x0  }
0x47: {  	s15 =	rddreg [dreg:$0xa];
	[sflag:s29] =	ssyncadd.s32 $0xFFFFD800  }
0x48: {  	[spmem:s15] =	stream.linear.scatter [tilespmem:s28], [sflag:$0x7], $0x2800, $0x38;
	[tilespmem:$0x16B00] =	vst v63  }
0x49: {  	_ =	swait.ge [sflag:s29], $0x2800  }
0x4a: {  	[sflag:s29] =	ssyncset.done $0x0  }
0x4b: {  	s16 =	rddreg [dreg:$0xb];
	[sflag:s29] =	ssyncadd.s32 $0xFFFFD800  }
0x4c: {  	[spmem:s16] =	stream.linear.scatter [tilespmem:s28], [sflag:$0x7], $0x2800, $0x38;
	[tilespmem:$0x16B00] =	vst v63  }
0x4d: {  	_ =	swait.ge [sflag:s29], $0x2800  }
0x4e: {  	[sflag:s29] =	ssyncset.done $0x0  }
0x4f: {  	s17 =	rddreg [dreg:$0xc];
	[sflag:s29] =	ssyncadd.s32 $0xFFFFD800  }
0x50: {  	[spmem:s17] =	stream.linear.scatter [tilespmem:s28], [sflag:$0x7], $0x2800, $0x38;
	[tilespmem:$0x16B00] =	vst v63  }
0x51: {  	_ =	swait.ge [sflag:s29], $0x2800  }
0x52: {  	[sflag:s29] =	ssyncset.done $0x0  }
0x53: {  	[sflag:s29] =	ssyncadd.s32 $0xFFFFD800  }
0x54: {  	[spmem:s18] =	stream.linear.scatter [tilespmem:s28], [sflag:$0x7], $0x2800, $0x38;
	[tilespmem:$0x16B00] =	vst v63  }
0x55: {  	_ =	swait.ge [sflag:s29], $0x2800  }
0x56: {  	[sflag:s29] =	ssyncset.done $0x0  }
0x57: {  	[sflag:s29] =	ssyncadd.s32 $0xFFFFD800  }
0x58: {  	[bflag:$0x0] =	sbarrier.arrive $0xFFFF  }
0x59: {  	_ =	swait.ge [sflag:s30], $0x80  }
0x5a: {  	[sflag:s30] =	ssyncset.done $0x0  }
0x5b: {  	[sflag:s30] =	ssyncadd.s32 $0xFFFFFF80  }
0x5c: {  	[tilespmem:s31], [sflag:$0x1] =	stream.linear.gather [hbm4b:s19+s2], $0x80, $0x38;
	[tilespmem:$0x16B00] =	vst v63  }
.Ltmp3:
0x5d: {  	_ = 	snop;
	(pc) =	sbr.rel .LBB2_4-.Ltmp3, $4  }
0x5e: {  	_ =	swait.ge [sflag:s0], $0x80  }
0x5f: {  	[sflag:s0] =	ssyncset.done $0x0  }
0x60: {  	s12 =	simm.s32 $0x3F;
	s13 =	simm.s32 $0x100;
	[sflag:s0] =	ssyncadd.s32 $0xFFFFFF80  }
0x61: {  	[tilespmem:s1], [sflag:$0x2] =	stream.linear.gather [hbm4b:s20+s2], $0x80, $0x38;
	[tilespmem:$0x16B00] =	vst v63  }
.LBB2_5:
0x62: {  	_ =	swait.ge [sflag:s7], $0x80  }
0x63: {  	[sflag:s7] =	ssyncset.done $0x0  }
0x64: {  	[sflag:s7] =	ssyncadd.s32 $0xFFFFFF80  }
0x65: {  	_ =	swait.ge [sflag:s8], $0x80  }
0x66: {  	[sflag:s8] =	ssyncset.done $0x0  }
0x67: {  	[sflag:s8] =	ssyncadd.s32 $0xFFFFFF80  }
.LBB2_8:
0x68: {  	p0 =	seq.s32 s12, $0x0  }
.Ltmp4:
0x69: {  	_ = 	snop;
	(pc) =	sbr.rel @p0 .LBB2_10-.Ltmp4, $3  }
0x6a: {  	_ =	sdelay $0x1  }
0x6b: {  	s14 =	sadd.s32 s14, s21  }
0x6c: {  	[tilespmem:s26], [sflag:$0x6] =	stream.linear.gather [hbm4b:s14+s2], $0x80, $0x38;
	[tilespmem:$0x16B00] =	vst v63  }
.LBB2_9:
0x6d: {  	s14 =	sadd.s32 $0x80, s13  }
0x6e: {  	s15 =	sand.u32 $0x7C00, s14  }
0x6f: {  	s14 =	sand.u32 $0x380, s14;
	s15 =	sadd.s32 s6, s15  }
0x70: {  	s14 =	sor.u32 s14, s15  }
0x71: {  	s14 =	sshrl.u32 s14, $0x3  }
0x72: {  	s17 =	sadd.s32 s4, s14  }
0x73: {  	[tilespmem:s24], [sflag:$0x4] =	stream.linear.gather [hbm4b:s17+s2], $0x80, $0x38;
	[tilespmem:$0x16B00] =	vst v63  }
0x74: {  	_ =	swait.ge [sflag:s9], $0x80  }
0x75: {  	[sflag:s9] =	ssyncset.done $0x0  }
0x76: {  	[sflag:s9] =	ssyncadd.s32 $0xFFFFFF80  }
0x77: {  	_ =	swait.ge [sflag:s0], $0x80  }
0x78: {  	s12 =	sadd.s32 $0xFFFFFFFF, s12;
	[sflag:s0] =	ssyncset.done $0x0  }
0x79: {  	s13 =	sadd.s32 $0x100, s13;
	s14 =	sadd.s32 s3, s14;
	[sflag:s0] =	ssyncadd.s32 $0xFFFFFF80  }
0x7a: {  	[tilespmem:s1], [sflag:$0x2] =	stream.linear.gather [hbm4b:s14+s2], $0x80, $0x38;
	[tilespmem:$0x16B00] =	vst v63  }
.LBB2_4:
0x7b: {  	p0 =	seq.s32 s12, $0x3F  }
0x7c: {  	p1 =	sne.s32 @!p0 s12, $0x0  }
0x7d: {  	p1 =	por p0, p1  }
.Ltmp5:
0x7e: {  	s14 =	sadd.s32 @!p0 s13, s6;
	(pc) =	sbr.rel @!p1 .LBB2_5-.Ltmp5, $4  }
0x7f: {  	_ =	swait.ge [sflag:s25], $0x80;
	s14 =	sadd.s32 @!p0 $0xFFFFFF00, s14  }
0x80: {  	[sflag:s25] =	ssyncset.done $0x0;
	s16 =	simm.s32 @!p0 $0x0;
	s14 =	sshrl.u32 @!p0 s14, $0x3  }
0x81: {  	s17 =	simm.s32 @!p0 $0x100;
	[sflag:s25] =	ssyncadd.s32 $0xFFFFFF80;
	s15 =	sadd.s32 @!p0 s5, s14  }
0x82: {  	[tilespmem:s17], [sflag:$0x5] =	stream.linear.gather @!p0 [hbm4b:s15+s16], $0x80, $0x38;
	[tilespmem:$0x16B00] =	vst v63  }
0x83: {  	s14 =	sand.u32 $0x7C00, s13  }
0x84: {  	s15 =	sand.u32 $0x300, s13;
	s14 =	sadd.s32 s6, s14  }
0x85: {  	s14 =	sor.u32 s15, s14  }
0x86: {  	s14 =	sshrl.u32 s14, $0x3  }
0x87: {  	s17 =	sadd.s32 s4, s14  }
0x88: {  	[tilespmem:s2], [sflag:$0x3] =	stream.linear.gather [hbm4b:s17+s2], $0x80, $0x38;
	[tilespmem:$0x16B00] =	vst v63  }
0x89: {  	_ =	swait.ge [sflag:s7], $0x80  }
0x8a: {  	[sflag:s7] =	ssyncset.done $0x0  }
0x8b: {  	[sflag:s7] =	ssyncadd.s32 $0xFFFFFF80  }
0x8c: {  	_ =	swait.ge [sflag:s30], $0x80  }
0x8d: {  	[sflag:s30] =	ssyncset.done $0x0  }
.Ltmp6:
0x8e: {  	s14 =	sadd.s32 s3, s14;
	[sflag:s30] =	ssyncadd.s32 $0xFFFFFF80;
	(pc) =	sbr.rel @p0 .LBB2_9-.Ltmp6, $4  }
0x8f: {  	[tilespmem:s31], [sflag:$0x1] =	stream.linear.gather [hbm4b:s14+s2], $0x80, $0x38;
	[tilespmem:$0x16B00] =	vst v63  }
0x90: {  	_ =	swait.ge [sflag:s8], $0x80  }
0x91: {  	[sflag:s8] =	ssyncset.done $0x0  }
0x92: {  	[sflag:s8] =	ssyncadd.s32 $0xFFFFFF80  }
.Ltmp7:
0x93: {  	(pc) =	sbr.rel .LBB2_8-.Ltmp7, $4  }
0x94: {  	_ = 	snop  }
0x95: {  	s14 =	sadd.s32 s13, s6  }
0x96: {  	s14 =	sadd.s32 $0xFFFFFF00, s14  }
0x97: {  	s14 =	sshrl.u32 s14, $0x3  }
.LBB2_11:
0x98: {  	_ =	sfence.sel $0x180000  }
0x99: {  	[bflag:$0x0] =	sbarrier.arrive $0xFFFF  }
0x9a: {  	_ =	strace $0x9000004A  }
0x9b: {  	s0 =	stileid.u32;
	[bflag:$0x2] =	sbarrier.arrive $0xFFFF  }
0x9c: {  	p0 =	sne.s32 s0, $0x0;
	s0 =	rddreg [dreg:$0x2]  }
0x9d: {  	s0 =	sadd.s32 @!p0 $0x100000, s0  }
0x9e: {  	[sflag:s0] =	ssyncadd.tile.s32 @!p0 $0x1;
	_ =	shalt  }
.Lfunc_end2:
_tile_overlayer_lowered:
.L_overlay_start_2:
0x9f: {  	(tag) =	ssettag $0x2  }
0xa0: {  	s0 =	rddreg [dreg:$0x0];
	s2 =	stileid.u32  }
0xa1: {  	s1 =	rddreg [dreg:$0x1];
	p0 =	sne.s32 s2, $0x0  }
0xa2: {  	s3 =	rddreg [dreg:$0x2];
	[bflag:$0x3] =	sbarrier.arrive $0xFFFF;
	s2 =	simm.s32 @!p0 $0x1C07  }
0xa3: {  	[timem:s3], [sflag:s2] =	dma.local @!p0 [hbm:s0], s1  }
0xa4: {  	s0 =	simm.s32 @!p0 $0x7  }
0xa5: {  	_ =	swait.ge @!p0 [sflag:s0], s1  }
0xa6: {  	s1 =	ssub.s32 @!p0 $0x0, s1;
	[sflag:s0] =	ssyncset.done @!p0 $0x0  }
0xa7: {  	[sflag:s0] =	ssyncadd.s32 @!p0 s1  }
0xa8: {  	[bflag:$0x3] =	sbarrier.arrive $0xFFFF  }
0xa9: {  	_ =	shalt  }

</sc_bundles>
